<compile_context>
chip_gen: v7x
topology: tpu7x:2x2x1
jax: 0.10.2.dev20260603
libtpu: 0.0.44.dev20260713+nightly
codegen_flags: <defaults>
</compile_context>

<pallas_src>
import functools

import jax
import jax.numpy as jnp
from jax import lax
from jax.experimental import pallas as pl
from jax.experimental.pallas import tpu as pltpu
from jax.experimental.pallas import tpu_sc as plsc

NE = 8
DIN = 768
DEXP = 768
B = 2048
BM = 384
G = 12
PAD = G * BM



def _routing_body(x_ref, rb_ref, router_ref, idx_ref, pos_ref, maxp_ref,
                  xb_ref, eslot_ref, nvalid_ref, prop_ref, weight_ref):
    x = x_ref[...]
    logits = lax.dot(x - rb_ref[...], router_ref[...],
                     preferred_element_type=jnp.float32)
    m = jnp.max(logits, axis=1, keepdims=True)
    p = jnp.exp(logits - m)
    s = jnp.sum(p, axis=1, keepdims=True)
    probs = p / s
    maxp = jnp.max(probs, axis=1, keepdims=True)
    lane = lax.broadcasted_iota(jnp.int32, (B, NE), 1)
    idx = jnp.min(jnp.where(probs == maxp, lane, NE), axis=1,
                  keepdims=True)
    onehot = (lane == idx).astype(jnp.int32)

    c = onehot
    sh = 1
    while sh < B:
        c = c + jnp.concatenate(
            [jnp.zeros((sh, NE), jnp.int32), c[:B - sh, :]], axis=0)
        sh *= 2
    rank = jnp.sum(c * onehot, axis=1, keepdims=True) - 1
    counts = c[B - 1:B, :]

    ntiles = (counts + (BM - 1)) // BM
    ft = ntiles
    sh = 1
    while sh < NE:
        ft = ft + jnp.concatenate(
            [jnp.zeros((1, sh), jnp.int32), ft[:, :NE - sh]], axis=1)
        sh *= 2
    ft_excl = ft - ntiles
    opad = ft_excl * BM

    r8 = lax.broadcasted_iota(jnp.int32, (NE, NE), 0)
    c8 = lax.broadcasted_iota(jnp.int32, (NE, NE), 1)
    eye8 = (r8 == c8).astype(jnp.float32)
    tr = lambda row: lax.dot_general(
        eye8, row.astype(jnp.float32),
        dimension_numbers=(((1,), (1,)), ((), ())),
        preferred_element_type=jnp.float32)
    ft_col = tr(ft_excl)
    nt_col = tr(ntiles)
    cnt_col = tr(counts)
    g_row = lax.broadcasted_iota(jnp.int32, (1, G), 1).astype(jnp.float32)
    ge = (g_row >= ft_col).astype(jnp.float32)
    own = ge * (g_row < ft_col + nt_col).astype(jnp.float32)
    e_slot = jnp.sum(ge, axis=0, keepdims=True) - 1.0
    s_sel = jnp.sum(own * cnt_col, axis=0, keepdims=True)
    ft_sel = jnp.sum(own * ft_col, axis=0, keepdims=True)
    nvalid = jnp.clip(s_sel - (g_row - ft_sel) * BM, 0.0, float(BM))

    idx_ref[...] = idx
    pos_ref[...] = jnp.sum(onehot * opad, axis=1, keepdims=True) + rank
    maxp_ref[...] = jnp.broadcast_to(maxp, (B, 128))
    xi = lax.bitcast_convert_type(x, jnp.uint32)
    hi = xi[:, :DIN // 2]
    lo = xi[:, DIN // 2:]
    h16 = (hi + (jnp.uint32(0x7FFF) + ((hi >> 16) & jnp.uint32(1)))) >> 16
    l16 = (lo + (jnp.uint32(0x7FFF) + ((lo >> 16) & jnp.uint32(1)))) >> 16
    xb_ref[...] = lax.bitcast_convert_type((h16 << 16) | l16, jnp.int32)
    eslot_ref[...] = e_slot.astype(jnp.int32)
    nvalid_ref[...] = nvalid.astype(jnp.int32)
    prop_ref[...] = counts.astype(jnp.float32) / jnp.float32(B)
    weight_ref[...] = jnp.sum(probs, axis=0, keepdims=True) / jnp.float32(B)


def _routing_call(activations, router_b, router):
    return pl.pallas_call(
        _routing_body,
        out_shape=(
            jax.ShapeDtypeStruct((B, 1), jnp.int32),
            jax.ShapeDtypeStruct((B, 1), jnp.int32),
            jax.ShapeDtypeStruct((B, 128), jnp.float32),
            jax.ShapeDtypeStruct((B, DIN // 2), jnp.int32),
            jax.ShapeDtypeStruct((1, G), jnp.int32),
            jax.ShapeDtypeStruct((1, G), jnp.int32),
            jax.ShapeDtypeStruct((1, NE), jnp.float32),
            jax.ShapeDtypeStruct((1, NE), jnp.float32),
        ),
    )(activations, router_b.reshape(1, DIN), router)



def _make_scatter(nw, ch):
    mesh = plsc.VectorSubcoreMesh(core_axis_name="c", subcore_axis_name="s")

    @functools.partial(
        pl.kernel,
        out_type=(
            jax.ShapeDtypeStruct((PAD, DIN // 2), jnp.int32),
            jax.ShapeDtypeStruct((PAD, 128), jnp.float32),
        ),
        mesh=mesh,
        scratch_types=[
            pltpu.VMEM((ch,), jnp.int32),
            pltpu.VMEM((ch, DIN // 2), jnp.int32),
            pltpu.VMEM((ch, 128), jnp.float32),
            pltpu.SemaphoreType.DMA,
            pltpu.SemaphoreType.DMA,
            pltpu.SemaphoreType.DMA,
        ],
    )
    def scatter_k(x_hbm, pos_hbm, mp_hbm, xs_hbm, ps_hbm,
                  idx_v, rows_v, mp_v, sem_a, sem_b, sem_c):
        nc = mesh.num_cores
        wid = lax.axis_index("s") * nc + lax.axis_index("c")
        base = wid * ch
        ld_i = pltpu.async_copy(pos_hbm.at[pl.ds(base, ch)], idx_v, sem_a)
        ld_x = pltpu.async_copy(x_hbm.at[pl.ds(base, ch)], rows_v, sem_b)
        ld_m = pltpu.async_copy(mp_hbm.at[pl.ds(base, ch)], mp_v, sem_c)
        ld_i.wait()
        ld_x.wait()
        ld_m.wait()
        cp_a = pltpu.async_copy(rows_v, xs_hbm.at[idx_v], sem_a)
        cp_b = pltpu.async_copy(mp_v, ps_hbm.at[idx_v], sem_b)
        cp_a.wait()
        cp_b.wait()

    return scatter_k



def _moe_body(e_ref, nv_ref, x_ref, enc_ref, dec_ref, mp_ref, pb_ref,
              lat_ref, rec_ref, wa_ref, acc_ref):
    g = pl.program_id(0)
    nv = nv_ref[g]

    @pl.when(g == 0)
    def _init():
        acc_ref[...] = jnp.full((NE, DEXP), -jnp.inf, jnp.float32)

    @pl.when(nv > 0)
    def _compute():
        e = e_ref[g]
        xu = lax.bitcast_convert_type(x_ref[...], jnp.uint32)
        hi_f = lax.bitcast_convert_type(xu & jnp.uint32(0xFFFF0000), jnp.float32)
        lo_f = lax.bitcast_convert_type(xu << 16, jnp.float32)
        xc = jnp.concatenate([hi_f, lo_f], axis=1) - pb_ref[...]
        lat = jnp.maximum(
            lax.dot(xc, enc_ref[0], preferred_element_type=jnp.float32), 0.0)
        lat_ref[...] = lat
        rec = lax.dot(lat, dec_ref[0], preferred_element_type=jnp.float32)
        rec_ref[...] = mp_ref[:, 0:1] * rec + pb_ref[...]
        rows = lax.broadcasted_iota(jnp.int32, (BM, 1), 0)
        lat_m = jnp.where(rows < nv, lat, -jnp.inf)
        colmax = jnp.max(lat_m, axis=0, keepdims=True)
        eid = lax.broadcasted_iota(jnp.int32, (NE, DEXP), 0)
        acc_ref[...] = jnp.where(eid == e,
                                 jnp.maximum(acc_ref[...], colmax), acc_ref[...])

    @pl.when(g == G - 1)
    def _final():
        wa_ref[...] = acc_ref[...] > 0.001


def _moe_call(x_sorted, enc, dec, mp_sorted, pre_b, e_slot, nvalid):
    grid_spec = pltpu.PrefetchScalarGridSpec(
        num_scalar_prefetch=2,
        grid=(G,),
        in_specs=[
            pl.BlockSpec((BM, DIN // 2),
                         lambda g, e_s, nv: (jnp.where(nv[g] > 0, g, 0), 0)),
            pl.BlockSpec((1, DIN, DEXP), lambda g, e_s, nv: (e_s[g], 0, 0)),
            pl.BlockSpec((1, DEXP, DIN), lambda g, e_s, nv: (e_s[g], 0, 0)),
            pl.BlockSpec((BM, 128),
                         lambda g, e_s, nv: (jnp.where(nv[g] > 0, g, 0), 0)),
            pl.BlockSpec((1, DIN), lambda g, e_s, nv: (0, 0)),
        ],
        out_specs=[
            pl.BlockSpec((BM, DEXP),
                         lambda g, e_s, nv: (jnp.where(nv[g] > 0, g, G - 1), 0)),
            pl.BlockSpec((BM, DIN),
                         lambda g, e_s, nv: (jnp.where(nv[g] > 0, g, G - 1), 0)),
            pl.BlockSpec((NE, DEXP), lambda g, e_s, nv: (0, 0)),
        ],
        scratch_shapes=[pltpu.VMEM((NE, DEXP), jnp.float32)],
    )
    return pl.pallas_call(
        _moe_body,
        grid_spec=grid_spec,
        out_shape=(
            jax.ShapeDtypeStruct((PAD, DEXP), jnp.float32),
            jax.ShapeDtypeStruct((PAD, DIN), jnp.float32),
            jax.ShapeDtypeStruct((NE, DEXP), jnp.bool_),
        ),
        compiler_params=pltpu.CompilerParams(
            dimension_semantics=("arbitrary",)),
    )(e_slot, nvalid, x_sorted, enc, dec, mp_sorted,
      pre_b.reshape(1, DIN))



def _make_gather(nw, ch):
    mesh = plsc.VectorSubcoreMesh(core_axis_name="c", subcore_axis_name="s")

    @functools.partial(
        pl.kernel,
        out_type=(
            jax.ShapeDtypeStruct((B, DIN), jnp.float32),
            jax.ShapeDtypeStruct((B, DEXP), jnp.float32),
        ),
        mesh=mesh,
        scratch_types=[
            pltpu.VMEM((ch,), jnp.int32),
            pltpu.VMEM((ch, DIN), jnp.float32),
            pltpu.VMEM((ch, DEXP), jnp.float32),
            pltpu.SemaphoreType.DMA,
            pltpu.SemaphoreType.DMA,
        ],
    )
    def gather_k(rec_hbm, lat_hbm, pos_hbm, recon_out, latent_out,
                 idx_v, rec_v, lat_v, sem_a, sem_b):
        nc = mesh.num_cores
        wid = lax.axis_index("s") * nc + lax.axis_index("c")
        base = wid * ch
        pltpu.sync_copy(pos_hbm.at[pl.ds(base, ch)], idx_v)
        cp_a = pltpu.async_copy(rec_hbm.at[idx_v], rec_v, sem_a)
        cp_b = pltpu.async_copy(lat_hbm.at[idx_v], lat_v, sem_b)
        cp_a.wait()
        cp_b.wait()
        st_a = pltpu.async_copy(rec_v, recon_out.at[pl.ds(base, ch)], sem_a)
        st_b = pltpu.async_copy(lat_v, latent_out.at[pl.ds(base, ch)], sem_b)
        st_a.wait()
        st_b.wait()

    return gather_k



def kernel(activations, pre_b, enc, dec, router_b, router):
    info = plsc.get_sparse_core_info()
    nw = info.num_cores * info.num_subcores
    ch = B // nw

    idx2d, pos2d, maxp16, xb, e_slot, nvalid, prop, weight = _routing_call(
        activations, router_b, router)
    pos = pos2d.reshape(B)

    x_sorted, mp_sorted = _make_scatter(nw, ch)(xb, pos, maxp16)
    lat_s, rec_s, was_active = _moe_call(
        x_sorted, enc, dec, mp_sorted, pre_b,
        e_slot.reshape(G), nvalid.reshape(G))
    full_recons, full_latent = _make_gather(nw, ch)(rec_s, lat_s, pos)

    return (full_recons, full_latent, was_active, idx2d.reshape(B),
            prop.reshape(NE), weight.reshape(NE))

# --- scband reference (transcript-rebuilt; emitter-appended) ---
"""Pipeline reference for scband-switch-sae-20220706029913 (READ-ONLY COPY).

The authoritative reference and input builder live on the scoring server;
editing this copy changes nothing except your own understanding.
"""

import jax, jax.numpy as jnp
import numpy as np

N_EXPERTS = 8
D_IN = 768
EXPERT_DIM = 768  # n_features (6144) // n_experts (8)
BATCH = 2048


def setup_inputs(seed: int = 0) -> dict:
    key = jax.random.key(seed)
    k1, k2, k3, k4, k5 = jax.random.split(key, 5)
    activations = jax.random.normal(k1, (BATCH, D_IN), dtype=jnp.float32)
    pre_b = jax.random.normal(k2, (D_IN,), dtype=jnp.float32) * 0.01
    enc = jax.random.normal(k3, (N_EXPERTS, D_IN, EXPERT_DIM), dtype=jnp.float32) / (2 ** 0.5) / (D_IN ** 0.5)
    dec = jnp.transpose(enc, (0, 2, 1))  # torch: self.enc.mT.clone()
    router_b = jax.random.normal(k4, (D_IN,), dtype=jnp.float32) * 0.01
    router = jax.random.normal(k5, (D_IN, N_EXPERTS), dtype=jnp.float32) / (D_IN ** 0.5)
    return {"activations": activations, "pre_b": pre_b, "enc": enc, "dec": dec,
            "router_b": router_b, "router": router}


def reference(activations, pre_b, enc, dec, router_b, router):
    batch_size = activations.shape[0]
    expert_probabilities = jax.nn.softmax((activations - router_b) @ router, axis=-1)
    expert_max_prob = jnp.max(expert_probabilities, axis=-1)
    expert_idx = jnp.argmax(expert_probabilities, axis=-1)
    expert_prop = jnp.bincount(expert_idx, minlength=N_EXPERTS, length=N_EXPERTS) / batch_size
    expert_weighting = jnp.mean(expert_probabilities, axis=0)

    full_recons = jnp.zeros_like(activations)
    full_latent = jnp.zeros((batch_size, EXPERT_DIM), dtype=activations.dtype)
    was_active = []

    x_centered = activations - pre_b
    for expert_id in range(N_EXPERTS):
        mask = (expert_idx == expert_id)
        latent_e = jax.nn.relu(x_centered @ enc[expert_id])
        recon_e = latent_e @ dec[expert_id]
        full_latent = jnp.where(mask[:, None], latent_e, full_latent)
        full_recons = jnp.where(mask[:, None], recon_e, full_recons)
        # torch computes max only over routed rows; masked -inf reproduces that,
        # and yields False (as torch's untouched zeros->bool) when no row routed
        masked_latent = jnp.where(mask[:, None], latent_e, -jnp.inf)
        was_active.append(jnp.max(masked_latent, axis=0) > 0.001)
    was_active = jnp.stack(was_active, axis=0)

    full_recons = expert_max_prob[:, None] * full_recons + pre_b
    return (full_recons, full_latent, was_active, expert_idx, expert_prop, expert_weighting)

if __name__ == "__main__":
    import jax
    _d = setup_inputs()
    print(jax.jit(kernel)(*tuple(_d.values())))

</pallas_src>

<mosaic_0001>
#map = affine_map<(d0, d1) -> (0, 0)>
#map1 = affine_map<(d0, d1) -> (0)>
module attributes {stable_mosaic.version = 14 : i64} {
  func.func @gather_k(%arg0: i32, %arg1: i32, %arg2: memref<4608x768xf32, #tpu.memory_space<hbm>>, %arg3: memref<4608x768xf32, #tpu.memory_space<hbm>>, %arg4: memref<2048xi32, #tpu.memory_space<hbm>>, %arg5: memref<2048x768xf32, #tpu.memory_space<hbm>>, %arg6: memref<2048x768xf32, #tpu.memory_space<hbm>>, %arg7: memref<64xi32, #tpu.memory_space<vmem>>, %arg8: memref<64x768xf32, #tpu.memory_space<vmem>>, %arg9: memref<64x768xf32, #tpu.memory_space<vmem>>, %arg10: memref<!tpu.dma_semaphore, #tpu.memory_space<semaphore_mem>>, %arg11: memref<!tpu.dma_semaphore, #tpu.memory_space<semaphore_mem>>) attributes {dimension_semantics = [#tpu.dimension_semantics<core_parallel>, #tpu.dimension_semantics<subcore_parallel>], iteration_bounds = array<i64: 2, 16>, scalar_prefetch = 0 : i64, scratch_operands = 5 : i64, tpu.core_type = #tpu.core_type<sc_vector_subcore>, window_params = [{transform_indices = #map}, {transform_indices = #map}, {transform_indices = #map1}, {transform_indices = #map}, {transform_indices = #map}]} {
    %mul3A = arith.constant 2 : i32
    %mul3A_0 = arith.muli %arg1, %mul3A : i32
    %add3A = arith.addi %mul3A_0, %arg0 : i32
    %mul3A_1 = arith.constant 64 : i32
    %mul3A_2 = arith.muli %add3A, %mul3A_1 : i32
    "tpu.region"() ({
      %run_scoped3A = tpu.sem_alloc : memref<!tpu.dma_semaphore, #tpu.memory_space<semaphore_mem>>
      %dma_start3A_29 = tpu.memref_slice %arg4[%mul3A_2] : memref<2048xi32, #tpu.memory_space<hbm>> -> memref<64xi32, #tpu.memory_space<hbm>>
      %dma_start3A_30 = tpu.memref_slice %arg4[%mul3A_2] : memref<2048xi32, #tpu.memory_space<hbm>> -> memref<64xi32, #tpu.memory_space<hbm>>
      tpu.enqueue_dma source(%dma_start3A_30 : memref<64xi32, #tpu.memory_space<hbm>>) target(%arg7 : memref<64xi32, #tpu.memory_space<vmem>>) target_semaphore(%run_scoped3A : memref<!tpu.dma_semaphore, #tpu.memory_space<semaphore_mem>>)
      %dma_wait3A_31 = tpu.memref_slice %arg4[%mul3A_2] : memref<2048xi32, #tpu.memory_space<hbm>> -> memref<64xi32, #tpu.memory_space<hbm>>
      %dma_wait3A_32 = tpu.memref_slice %arg4[%mul3A_2] : memref<2048xi32, #tpu.memory_space<hbm>> -> memref<64xi32, #tpu.memory_space<hbm>>
      tpu.wait_dma2 semaphore(%run_scoped3A : memref<!tpu.dma_semaphore, #tpu.memory_space<semaphore_mem>>) src(%dma_wait3A_32 : memref<64xi32, #tpu.memory_space<hbm>>) dst(%arg7 : memref<64xi32, #tpu.memory_space<vmem>>)
      tpu.yield
    }) : () -> ()
    %dma_start3A = arith.constant 0 : i32
    %dma_start3A_3 = arith.constant 0 : i32
    %dma_start3A_4 = tpu.memref_slice %arg2[%dma_start3A, %dma_start3A_3] : memref<4608x768xf32, #tpu.memory_space<hbm>> -> memref<4608x768xf32, #tpu.memory_space<hbm>>
    tpu.enqueue_indirect_dma source(%dma_start3A_4 : memref<4608x768xf32, #tpu.memory_space<hbm>>) target(%arg8 : memref<64x768xf32, #tpu.memory_space<vmem>>) offsets(%arg7 : memref<64xi32, #tpu.memory_space<vmem>>) semaphore(%arg10 : memref<!tpu.dma_semaphore, #tpu.memory_space<semaphore_mem>>)
    %dma_start3A_5 = arith.constant 0 : i32
    %dma_start3A_6 = arith.constant 0 : i32
    %dma_start3A_7 = tpu.memref_slice %arg3[%dma_start3A_5, %dma_start3A_6] : memref<4608x768xf32, #tpu.memory_space<hbm>> -> memref<4608x768xf32, #tpu.memory_space<hbm>>
    tpu.enqueue_indirect_dma source(%dma_start3A_7 : memref<4608x768xf32, #tpu.memory_space<hbm>>) target(%arg9 : memref<64x768xf32, #tpu.memory_space<vmem>>) offsets(%arg7 : memref<64xi32, #tpu.memory_space<vmem>>) semaphore(%arg11 : memref<!tpu.dma_semaphore, #tpu.memory_space<semaphore_mem>>)
    %dma_wait3A = arith.constant 0 : i32
    %dma_wait3A_8 = arith.constant 0 : i32
    %dma_wait3A_9 = tpu.memref_slice %arg2[%dma_wait3A, %dma_wait3A_8] : memref<4608x768xf32, #tpu.memory_space<hbm>> -> memref<4608x768xf32, #tpu.memory_space<hbm>>
    tpu.wait_indirect_dma semaphore(%arg10 : memref<!tpu.dma_semaphore, #tpu.memory_space<semaphore_mem>>) src(%dma_wait3A_9 : memref<4608x768xf32, #tpu.memory_space<hbm>>) dst(%arg8 : memref<64x768xf32, #tpu.memory_space<vmem>>)
    %dma_wait3A_10 = arith.constant 0 : i32
    %dma_wait3A_11 = arith.constant 0 : i32
    %dma_wait3A_12 = tpu.memref_slice %arg3[%dma_wait3A_10, %dma_wait3A_11] : memref<4608x768xf32, #tpu.memory_space<hbm>> -> memref<4608x768xf32, #tpu.memory_space<hbm>>
    tpu.wait_indirect_dma semaphore(%arg11 : memref<!tpu.dma_semaphore, #tpu.memory_space<semaphore_mem>>) src(%dma_wait3A_12 : memref<4608x768xf32, #tpu.memory_space<hbm>>) dst(%arg9 : memref<64x768xf32, #tpu.memory_space<vmem>>)
    %dma_start3A_13 = arith.constant 0 : i32
    %dma_start3A_14 = tpu.memref_slice %arg5[%mul3A_2, %dma_start3A_13] : memref<2048x768xf32, #tpu.memory_space<hbm>> -> memref<64x768xf32, #tpu.memory_space<hbm>>
    %dma_start3A_15 = arith.constant 0 : i32
    %dma_start3A_16 = tpu.memref_slice %arg5[%mul3A_2, %dma_start3A_15] : memref<2048x768xf32, #tpu.memory_space<hbm>> -> memref<64x768xf32, #tpu.memory_space<hbm>>
    tpu.enqueue_dma source(%arg8 : memref<64x768xf32, #tpu.memory_space<vmem>>) target(%dma_start3A_16 : memref<64x768xf32, #tpu.memory_space<hbm>>) target_semaphore(%arg10 : memref<!tpu.dma_semaphore, #tpu.memory_space<semaphore_mem>>)
    %dma_start3A_17 = arith.constant 0 : i32
    %dma_start3A_18 = tpu.memref_slice %arg6[%mul3A_2, %dma_start3A_17] : memref<2048x768xf32, #tpu.memory_space<hbm>> -> memref<64x768xf32, #tpu.memory_space<hbm>>
    %dma_start3A_19 = arith.constant 0 : i32
    %dma_start3A_20 = tpu.memref_slice %arg6[%mul3A_2, %dma_start3A_19] : memref<2048x768xf32, #tpu.memory_space<hbm>> -> memref<64x768xf32, #tpu.memory_space<hbm>>
    tpu.enqueue_dma source(%arg9 : memref<64x768xf32, #tpu.memory_space<vmem>>) target(%dma_start3A_20 : memref<64x768xf32, #tpu.memory_space<hbm>>) target_semaphore(%arg11 : memref<!tpu.dma_semaphore, #tpu.memory_space<semaphore_mem>>)
    %dma_wait3A_21 = arith.constant 0 : i32
    %dma_wait3A_22 = tpu.memref_slice %arg5[%mul3A_2, %dma_wait3A_21] : memref<2048x768xf32, #tpu.memory_space<hbm>> -> memref<64x768xf32, #tpu.memory_space<hbm>>
    %dma_wait3A_23 = arith.constant 0 : i32
    %dma_wait3A_24 = tpu.memref_slice %arg5[%mul3A_2, %dma_wait3A_23] : memref<2048x768xf32, #tpu.memory_space<hbm>> -> memref<64x768xf32, #tpu.memory_space<hbm>>
    tpu.wait_dma2 semaphore(%arg10 : memref<!tpu.dma_semaphore, #tpu.memory_space<semaphore_mem>>) src(%arg8 : memref<64x768xf32, #tpu.memory_space<vmem>>) dst(%dma_wait3A_24 : memref<64x768xf32, #tpu.memory_space<hbm>>)
    %dma_wait3A_25 = arith.constant 0 : i32
    %dma_wait3A_26 = tpu.memref_slice %arg6[%mul3A_2, %dma_wait3A_25] : memref<2048x768xf32, #tpu.memory_space<hbm>> -> memref<64x768xf32, #tpu.memory_space<hbm>>
    %dma_wait3A_27 = arith.constant 0 : i32
    %dma_wait3A_28 = tpu.memref_slice %arg6[%mul3A_2, %dma_wait3A_27] : memref<2048x768xf32, #tpu.memory_space<hbm>> -> memref<64x768xf32, #tpu.memory_space<hbm>>
    tpu.wait_dma2 semaphore(%arg11 : memref<!tpu.dma_semaphore, #tpu.memory_space<semaphore_mem>>) src(%arg9 : memref<64x768xf32, #tpu.memory_space<vmem>>) dst(%dma_wait3A_28 : memref<64x768xf32, #tpu.memory_space<hbm>>)
    return
  }
}

#map = affine_map<(d0, d1) -> (0, 0)>
#map1 = affine_map<(d0, d1) -> (0)>
module attributes {stable_mosaic.version = 14 : i64} {
  func.func @scatter_k(%arg0: i32, %arg1: i32, %arg2: memref<2048x384xi32, #tpu.memory_space<hbm>>, %arg3: memref<2048xi32, #tpu.memory_space<hbm>>, %arg4: memref<2048x128xf32, #tpu.memory_space<hbm>>, %arg5: memref<4608x384xi32, #tpu.memory_space<hbm>>, %arg6: memref<4608x128xf32, #tpu.memory_space<hbm>>, %arg7: memref<64xi32, #tpu.memory_space<vmem>>, %arg8: memref<64x384xi32, #tpu.memory_space<vmem>>, %arg9: memref<64x128xf32, #tpu.memory_space<vmem>>, %arg10: memref<!tpu.dma_semaphore, #tpu.memory_space<semaphore_mem>>, %arg11: memref<!tpu.dma_semaphore, #tpu.memory_space<semaphore_mem>>, %arg12: memref<!tpu.dma_semaphore, #tpu.memory_space<semaphore_mem>>) attributes {dimension_semantics = [#tpu.dimension_semantics<core_parallel>, #tpu.dimension_semantics<subcore_parallel>], iteration_bounds = array<i64: 2, 16>, scalar_prefetch = 0 : i64, scratch_operands = 6 : i64, tpu.core_type = #tpu.core_type<sc_vector_subcore>, window_params = [{transform_indices = #map}, {transform_indices = #map1}, {transform_indices = #map}, {transform_indices = #map}, {transform_indices = #map}]} {
    %mul3A = arith.constant 2 : i32
    %mul3A_0 = arith.muli %arg1, %mul3A : i32
    %add3A = arith.addi %mul3A_0, %arg0 : i32
    %mul3A_1 = arith.constant 64 : i32
    %mul3A_2 = arith.muli %add3A, %mul3A_1 : i32
    %dma_start3A = tpu.memref_slice %arg3[%mul3A_2] : memref<2048xi32, #tpu.memory_space<hbm>> -> memref<64xi32, #tpu.memory_space<hbm>>
    %dma_start3A_3 = tpu.memref_slice %arg3[%mul3A_2] : memref<2048xi32, #tpu.memory_space<hbm>> -> memref<64xi32, #tpu.memory_space<hbm>>
    tpu.enqueue_dma source(%dma_start3A_3 : memref<64xi32, #tpu.memory_space<hbm>>) target(%arg7 : memref<64xi32, #tpu.memory_space<vmem>>) target_semaphore(%arg10 : memref<!tpu.dma_semaphore, #tpu.memory_space<semaphore_mem>>)
    %dma_start3A_4 = arith.constant 0 : i32
    %dma_start3A_5 = tpu.memref_slice %arg2[%mul3A_2, %dma_start3A_4] : memref<2048x384xi32, #tpu.memory_space<hbm>> -> memref<64x384xi32, #tpu.memory_space<hbm>>
    %dma_start3A_6 = arith.constant 0 : i32
    %dma_start3A_7 = tpu.memref_slice %arg2[%mul3A_2, %dma_start3A_6] : memref<2048x384xi32, #tpu.memory_space<hbm>> -> memref<64x384xi32, #tpu.memory_space<hbm>>
    tpu.enqueue_dma source(%dma_start3A_7 : memref<64x384xi32, #tpu.memory_space<hbm>>) target(%arg8 : memref<64x384xi32, #tpu.memory_space<vmem>>) target_semaphore(%arg11 : memref<!tpu.dma_semaphore, #tpu.memory_space<semaphore_mem>>)
    %dma_start3A_8 = arith.constant 0 : i32
    %dma_start3A_9 = tpu.memref_slice %arg4[%mul3A_2, %dma_start3A_8] : memref<2048x128xf32, #tpu.memory_space<hbm>> -> memref<64x128xf32, #tpu.memory_space<hbm>>
    %dma_start3A_10 = arith.constant 0 : i32
    %dma_start3A_11 = tpu.memref_slice %arg4[%mul3A_2, %dma_start3A_10] : memref<2048x128xf32, #tpu.memory_space<hbm>> -> memref<64x128xf32, #tpu.memory_space<hbm>>
    tpu.enqueue_dma source(%dma_start3A_11 : memref<64x128xf32, #tpu.memory_space<hbm>>) target(%arg9 : memref<64x128xf32, #tpu.memory_space<vmem>>) target_semaphore(%arg12 : memref<!tpu.dma_semaphore, #tpu.memory_space<semaphore_mem>>)
    %dma_wait3A = tpu.memref_slice %arg3[%mul3A_2] : memref<2048xi32, #tpu.memory_space<hbm>> -> memref<64xi32, #tpu.memory_space<hbm>>
    %dma_wait3A_12 = tpu.memref_slice %arg3[%mul3A_2] : memref<2048xi32, #tpu.memory_space<hbm>> -> memref<64xi32, #tpu.memory_space<hbm>>
    tpu.wait_dma2 semaphore(%arg10 : memref<!tpu.dma_semaphore, #tpu.memory_space<semaphore_mem>>) src(%dma_wait3A_12 : memref<64xi32, #tpu.memory_space<hbm>>) dst(%arg7 : memref<64xi32, #tpu.memory_space<vmem>>)
    %dma_wait3A_13 = arith.constant 0 : i32
    %dma_wait3A_14 = tpu.memref_slice %arg2[%mul3A_2, %dma_wait3A_13] : memref<2048x384xi32, #tpu.memory_space<hbm>> -> memref<64x384xi32, #tpu.memory_space<hbm>>
    %dma_wait3A_15 = arith.constant 0 : i32
    %dma_wait3A_16 = tpu.memref_slice %arg2[%mul3A_2, %dma_wait3A_15] : memref<2048x384xi32, #tpu.memory_space<hbm>> -> memref<64x384xi32, #tpu.memory_space<hbm>>
    tpu.wait_dma2 semaphore(%arg11 : memref<!tpu.dma_semaphore, #tpu.memory_space<semaphore_mem>>) src(%dma_wait3A_16 : memref<64x384xi32, #tpu.memory_space<hbm>>) dst(%arg8 : memref<64x384xi32, #tpu.memory_space<vmem>>)
    %dma_wait3A_17 = arith.constant 0 : i32
    %dma_wait3A_18 = tpu.memref_slice %arg4[%mul3A_2, %dma_wait3A_17] : memref<2048x128xf32, #tpu.memory_space<hbm>> -> memref<64x128xf32, #tpu.memory_space<hbm>>
    %dma_wait3A_19 = arith.constant 0 : i32
    %dma_wait3A_20 = tpu.memref_slice %arg4[%mul3A_2, %dma_wait3A_19] : memref<2048x128xf32, #tpu.memory_space<hbm>> -> memref<64x128xf32, #tpu.memory_space<hbm>>
    tpu.wait_dma2 semaphore(%arg12 : memref<!tpu.dma_semaphore, #tpu.memory_space<semaphore_mem>>) src(%dma_wait3A_20 : memref<64x128xf32, #tpu.memory_space<hbm>>) dst(%arg9 : memref<64x128xf32, #tpu.memory_space<vmem>>)
    %dma_start3A_21 = arith.constant 0 : i32
    %dma_start3A_22 = arith.constant 0 : i32
    %dma_start3A_23 = tpu.memref_slice %arg5[%dma_start3A_21, %dma_start3A_22] : memref<4608x384xi32, #tpu.memory_space<hbm>> -> memref<4608x384xi32, #tpu.memory_space<hbm>>
    tpu.enqueue_indirect_dma source(%arg8 : memref<64x384xi32, #tpu.memory_space<vmem>>) target(%dma_start3A_23 : memref<4608x384xi32, #tpu.memory_space<hbm>>) offsets(%arg7 : memref<64xi32, #tpu.memory_space<vmem>>) semaphore(%arg10 : memref<!tpu.dma_semaphore, #tpu.memory_space<semaphore_mem>>)
    %dma_start3A_24 = arith.constant 0 : i32
    %dma_start3A_25 = arith.constant 0 : i32
    %dma_start3A_26 = tpu.memref_slice %arg6[%dma_start3A_24, %dma_start3A_25] : memref<4608x128xf32, #tpu.memory_space<hbm>> -> memref<4608x128xf32, #tpu.memory_space<hbm>>
    tpu.enqueue_indirect_dma source(%arg9 : memref<64x128xf32, #tpu.memory_space<vmem>>) target(%dma_start3A_26 : memref<4608x128xf32, #tpu.memory_space<hbm>>) offsets(%arg7 : memref<64xi32, #tpu.memory_space<vmem>>) semaphore(%arg11 : memref<!tpu.dma_semaphore, #tpu.memory_space<semaphore_mem>>)
    %dma_wait3A_27 = arith.constant 0 : i32
    %dma_wait3A_28 = arith.constant 0 : i32
    %dma_wait3A_29 = tpu.memref_slice %arg5[%dma_wait3A_27, %dma_wait3A_28] : memref<4608x384xi32, #tpu.memory_space<hbm>> -> memref<4608x384xi32, #tpu.memory_space<hbm>>
    tpu.wait_indirect_dma semaphore(%arg10 : memref<!tpu.dma_semaphore, #tpu.memory_space<semaphore_mem>>) src(%arg8 : memref<64x384xi32, #tpu.memory_space<vmem>>) dst(%dma_wait3A_29 : memref<4608x384xi32, #tpu.memory_space<hbm>>)
    %dma_wait3A_30 = arith.constant 0 : i32
    %dma_wait3A_31 = arith.constant 0 : i32
    %dma_wait3A_32 = tpu.memref_slice %arg6[%dma_wait3A_30, %dma_wait3A_31] : memref<4608x128xf32, #tpu.memory_space<hbm>> -> memref<4608x128xf32, #tpu.memory_space<hbm>>
    tpu.wait_indirect_dma semaphore(%arg11 : memref<!tpu.dma_semaphore, #tpu.memory_space<semaphore_mem>>) src(%arg9 : memref<64x128xf32, #tpu.memory_space<vmem>>) dst(%dma_wait3A_32 : memref<4608x128xf32, #tpu.memory_space<hbm>>)
    return
  }
}

module attributes {stable_mosaic.version = 14 : i64} {
  func.func @_moe_body(%arg0: i32, %arg1: memref<12xi32, #tpu.memory_space<smem>>, %arg2: memref<12xi32, #tpu.memory_space<smem>>, %arg3: memref<384x384xi32, #tpu.memory_space<vmem>>, %arg4: memref<1x768x768xf32, #tpu.memory_space<vmem>>, %arg5: memref<1x768x768xf32, #tpu.memory_space<vmem>>, %arg6: memref<384x128xf32, #tpu.memory_space<vmem>>, %arg7: memref<1x768xf32, #tpu.memory_space<vmem>>, %arg8: memref<384x768xf32, #tpu.memory_space<vmem>>, %arg9: memref<384x768xf32, #tpu.memory_space<vmem>>, %arg10: memref<8x768xi32, #tpu.memory_space<vmem>>, %arg11: memref<8x768xf32, #tpu.memory_space<vmem>>) attributes {dimension_semantics = [#tpu.dimension_semantics<arbitrary>], iteration_bounds = array<i64: 12>, scalar_prefetch = 2 : i64, scratch_operands = 1 : i64, tpu.core_type = #tpu.core_type<tc>, window_params = [{transform_indices = @transform_0, window_bounds = array<i64: 384, 384>}, {transform_indices = @transform_1, window_bounds = array<i64: 1, 768, 768>}, {transform_indices = @transform_2, window_bounds = array<i64: 1, 768, 768>}, {transform_indices = @transform_3, window_bounds = array<i64: 384, 128>}, {pipeline_mode = #tpu.pipeline_mode<synchronous>, transform_indices = @transform_4, window_bounds = array<i64: 1, 768>}, {transform_indices = @transform_5, window_bounds = array<i64: 384, 768>}, {transform_indices = @transform_6, window_bounds = array<i64: 384, 768>}, {pipeline_mode = #tpu.pipeline_mode<synchronous>, transform_indices = @transform_7, window_bounds = array<i64: 8, 768>}]} {
    %get3A = arith.index_cast %arg0 : i32 to index
    %get3A_0 = memref.load %arg2[%get3A] : memref<12xi32, #tpu.memory_space<smem>>
    %eq3A = arith.constant 0 : i32
    %eq3A_1 = arith.cmpi eq, %arg0, %eq3A : i32
    %convert_element_type3A = arith.extui %eq3A_1 : i1 to i32
    %cond3A = arith.constant 0 : i32
    %cond3A_2 = arith.cmpi ne, %convert_element_type3A, %cond3A : i32
    scf.if %cond3A_2 {
      %broadcast_in_dim3A = arith.constant 0xFF800000 : f32
      %broadcast_in_dim3A_12 = vector.broadcast %broadcast_in_dim3A : f32 to vector<8x768xf32>
      %swap3A = arith.constant 0 : index
      %swap3A_13 = arith.constant 0 : index
      %swap3A_14 = vector.load %arg11[%swap3A, %swap3A_13] : memref<8x768xf32, #tpu.memory_space<vmem>>, vector<8x768xf32>
      tpu.vector_store %arg11[%swap3A, %swap3A_13], %broadcast_in_dim3A_12 {strides = array<i32>} : memref<8x768xf32, #tpu.memory_space<vmem>>, vector<8x768xf32>,
    } else {
    }
    %gt3A = arith.constant 0 : i32
    %gt3A_3 = arith.cmpi sgt, %get3A_0, %gt3A : i32
    %convert_element_type3A_4 = arith.extui %gt3A_3 : i1 to i32
    %cond3A_5 = arith.constant 0 : i32
    %cond3A_6 = arith.cmpi ne, %convert_element_type3A_4, %cond3A_5 : i32
    scf.if %cond3A_6 {
      %get3A_12 = arith.index_cast %arg0 : i32 to index
      %get3A_13 = memref.load %arg1[%get3A_12] : memref<12xi32, #tpu.memory_space<smem>>
      %get3A_14 = arith.constant 0 : index
      %get3A_15 = arith.constant 0 : index
      %get3A_16 = vector.load %arg3[%get3A_14, %get3A_15] : memref<384x384xi32, #tpu.memory_space<vmem>>, vector<384x384xi32>
      %bitcast_convert_type3A = tpu.bitcast %get3A_16 : vector<384x384xi32> -> vector<384x384xi32>
      %and3A = arith.constant -65536 : i32
      %and3A_17 = vector.broadcast %and3A : i32 to vector<384x384xi32>
      %and3A_18 = arith.andi %bitcast_convert_type3A, %and3A_17 : vector<384x384xi32>
      %bitcast_convert_type3A_19 = tpu.bitcast %and3A_18 : vector<384x384xi32> -> vector<384x384xf32>
      %shift_left3A = arith.constant 16 : i32
      %shift_left3A_20 = vector.broadcast %shift_left3A : i32 to vector<384x384xi32>
      %shift_left3A_21 = arith.shli %bitcast_convert_type3A, %shift_left3A_20 : vector<384x384xi32>
      %bitcast_convert_type3A_22 = tpu.bitcast %shift_left3A_21 : vector<384x384xi32> -> vector<384x384xf32>
      %concatenate3A = tpu.concatenate %bitcast_convert_type3A_19, %bitcast_convert_type3A_22 in 1 : vector<384x384xf32>, vector<384x384xf32> -> vector<384x768xf32>
      %get3A_23 = arith.constant 0 : index
      %get3A_24 = arith.constant 0 : index
      %get3A_25 = vector.load %arg7[%get3A_23, %get3A_24] : memref<1x768xf32, #tpu.memory_space<vmem>>, vector<1x768xf32>
      %sub3A = vector.broadcast %get3A_25 : vector<1x768xf32> to vector<384x768xf32>
      %sub3A_26 = arith.subf %concatenate3A, %sub3A : vector<384x768xf32>
      %get3A_27 = arith.constant 0 : index
      %get3A_28 = arith.constant 0 : index
      %get3A_29 = arith.constant 0 : index
      %get3A_30 = vector.load %arg4[%get3A_27, %get3A_28, %get3A_29] : memref<1x768x768xf32, #tpu.memory_space<vmem>>, vector<1x768x768xf32>
      %get3A_31 = vector.shape_cast %get3A_30 : vector<1x768x768xf32> to vector<768x768xf32>
      %dot_general3A = arith.constant dense<0.000000e+00> : vector<384x768xf32>
      %dot_general3A_32 = tpu.matmul %sub3A_26, %get3A_31, %dot_general3A {dimension_numbers = #tpu.dot_dimension_numbers<[1], [0], [0], [1], [0, 0, 1, 1], [], []>, transpose_lhs_hint = false} : vector<384x768xf32>, vector<768x768xf32>, vector<384x768xf32> -> vector<384x768xf32>
      %max3A = arith.constant 0.000000e+00 : f32
      %max3A_33 = vector.broadcast %max3A : f32 to vector<384x768xf32>
      %max3A_34 = arith.maximumf %dot_general3A_32, %max3A_33 : vector<384x768xf32>
      %swap3A = arith.constant 0 : index
      %swap3A_35 = arith.constant 0 : index
      %swap3A_36 = vector.load %arg8[%swap3A, %swap3A_35] : memref<384x768xf32, #tpu.memory_space<vmem>>, vector<384x768xf32>
      tpu.vector_store %arg8[%swap3A, %swap3A_35], %max3A_34 {strides = array<i32>} : memref<384x768xf32, #tpu.memory_space<vmem>>, vector<384x768xf32>,
      %get3A_37 = arith.constant 0 : index
      %get3A_38 = arith.constant 0 : index
      %get3A_39 = arith.constant 0 : index
      %get3A_40 = vector.load %arg5[%get3A_37, %get3A_38, %get3A_39] : memref<1x768x768xf32, #tpu.memory_space<vmem>>, vector<1x768x768xf32>
      %get3A_41 = vector.shape_cast %get3A_40 : vector<1x768x768xf32> to vector<768x768xf32>
      %dot_general3A_42 = arith.constant dense<0.000000e+00> : vector<384x768xf32>
      %dot_general3A_43 = tpu.matmul %max3A_34, %get3A_41, %dot_general3A_42 {dimension_numbers = #tpu.dot_dimension_numbers<[1], [0], [0], [1], [0, 0, 1, 1], [], []>, transpose_lhs_hint = false} : vector<384x768xf32>, vector<768x768xf32>, vector<384x768xf32> -> vector<384x768xf32>
      %get3A_44 = arith.constant 0 : index
      %get3A_45 = arith.constant 0 : index
      %get3A_46 = vector.load %arg6[%get3A_44, %get3A_45] : memref<384x128xf32, #tpu.memory_space<vmem>>, vector<384x1xf32>
      %mul3A = vector.broadcast %get3A_46 : vector<384x1xf32> to vector<384x768xf32>
      %mul3A_47 = arith.mulf %mul3A, %dot_general3A_43 : vector<384x768xf32>
      %get3A_48 = arith.constant 0 : index
      %get3A_49 = arith.constant 0 : index
      %get3A_50 = vector.load %arg7[%get3A_48, %get3A_49] : memref<1x768xf32, #tpu.memory_space<vmem>>, vector<1x768xf32>
      %add3A = vector.broadcast %get3A_50 : vector<1x768xf32> to vector<384x768xf32>
      %add3A_51 = arith.addf %mul3A_47, %add3A : vector<384x768xf32>
      %swap3A_52 = arith.constant 0 : index
      %swap3A_53 = arith.constant 0 : index
      %swap3A_54 = vector.load %arg9[%swap3A_52, %swap3A_53] : memref<384x768xf32, #tpu.memory_space<vmem>>, vector<384x768xf32>
      tpu.vector_store %arg9[%swap3A_52, %swap3A_53], %add3A_51 {strides = array<i32>} : memref<384x768xf32, #tpu.memory_space<vmem>>, vector<384x768xf32>,
      %iota3A = tpu.iota {dimensions = array<i32: 0>} : vector<384x1xi32>
      %lt3A = vector.broadcast %get3A_0 : i32 to vector<384x1xi32>
      %lt3A_55 = arith.cmpi slt, %iota3A, %lt3A : vector<384x1xi32>
      %jit3A = arith.constant 0xFF800000 : f32
      %broadcast_in_dim3A = vector.shape_cast %lt3A_55 : vector<384x1xi1> to vector<384x1xi1>
      %broadcast_in_dim3A_56 = vector.broadcast %broadcast_in_dim3A : vector<384x1xi1> to vector<384x768xi1>
      %broadcast_in_dim3A_57 = vector.broadcast %jit3A : f32 to vector<384x768xf32>
      %select_n3A = arith.select %broadcast_in_dim3A_56, %max3A_34, %broadcast_in_dim3A_57 : vector<384x768xi1>, vector<384x768xf32>
      %reduce_max3A = arith.constant dense<0xFF800000> : vector<768xf32>
      %reduce_max3A_58 = vector.multi_reduction <maximumf>, %select_n3A, %reduce_max3A [0] : vector<384x768xf32> to vector<768xf32>
      %broadcast_in_dim3A_59 = vector.shape_cast %reduce_max3A_58 : vector<768xf32> to vector<1x768xf32>
      %iota3A_60 = tpu.iota {dimensions = array<i32: 0>} : vector<8x768xi32>
      %eq3A_61 = vector.broadcast %get3A_13 : i32 to vector<8x768xi32>
      %eq3A_62 = arith.cmpi eq, %iota3A_60, %eq3A_61 : vector<8x768xi32>
      %get3A_63 = arith.constant 0 : index
      %get3A_64 = arith.constant 0 : index
      %get3A_65 = vector.load %arg11[%get3A_63, %get3A_64] : memref<8x768xf32, #tpu.memory_space<vmem>>, vector<8x768xf32>
      %max3A_66 = vector.broadcast %broadcast_in_dim3A_59 : vector<1x768xf32> to vector<8x768xf32>
      %max3A_67 = arith.maximumf %get3A_65, %max3A_66 : vector<8x768xf32>
      %get3A_68 = arith.constant 0 : index
      %get3A_69 = arith.constant 0 : index
      %get3A_70 = vector.load %arg11[%get3A_68, %get3A_69] : memref<8x768xf32, #tpu.memory_space<vmem>>, vector<8x768xf32>
      %select_n3A_71 = arith.select %eq3A_62, %max3A_67, %get3A_70 : vector<8x768xi1>, vector<8x768xf32>
      %swap3A_72 = arith.constant 0 : index
      %swap3A_73 = arith.constant 0 : index
      %swap3A_74 = vector.load %arg11[%swap3A_72, %swap3A_73] : memref<8x768xf32, #tpu.memory_space<vmem>>, vector<8x768xf32>
      tpu.vector_store %arg11[%swap3A_72, %swap3A_73], %select_n3A_71 {strides = array<i32>} : memref<8x768xf32, #tpu.memory_space<vmem>>, vector<8x768xf32>,
    } else {
    }
    %eq3A_7 = arith.constant 11 : i32
    %eq3A_8 = arith.cmpi eq, %arg0, %eq3A_7 : i32
    %convert_element_type3A_9 = arith.extui %eq3A_8 : i1 to i32
    %cond3A_10 = arith.constant 0 : i32
    %cond3A_11 = arith.cmpi ne, %convert_element_type3A_9, %cond3A_10 : i32
    scf.if %cond3A_11 {
      %get3A_12 = arith.constant 0 : index
      %get3A_13 = arith.constant 0 : index
      %get3A_14 = vector.load %arg11[%get3A_12, %get3A_13] : memref<8x768xf32, #tpu.memory_space<vmem>>, vector<8x768xf32>
      %gt3A_15 = arith.constant 1.000000e-03 : f32
      %gt3A_16 = vector.broadcast %gt3A_15 : f32 to vector<8x768xf32>
      %gt3A_17 = arith.cmpf ogt, %get3A_14, %gt3A_16 : vector<8x768xf32>
      %swap3A = arith.constant 0 : index
      %swap3A_18 = arith.constant 0 : index
      %swap3A_19 = vector.load %arg10[%swap3A, %swap3A_18] : memref<8x768xi32, #tpu.memory_space<vmem>>, vector<8x768xi32>
      %swap3A_20 = arith.extui %gt3A_17 : vector<8x768xi1> to vector<8x768xi32>
      %swap3A_21 = arith.constant dense<0> : vector<8x768xi32>
      %swap3A_22 = arith.cmpi ne, %swap3A_19, %swap3A_21 : vector<8x768xi32>
      tpu.vector_store %arg10[%swap3A, %swap3A_18], %swap3A_20 {strides = array<i32>} : memref<8x768xi32, #tpu.memory_space<vmem>>, vector<8x768xi32>,
    } else {
    }
    return
  }
  func.func @transform_0(%arg0: i32, %arg1: memref<12xi32, #tpu.memory_space<smem>>, %arg2: memref<12xi32, #tpu.memory_space<smem>>) -> (i32, i32) {
    %get3A = arith.index_cast %arg0 : i32 to index
    %get3A_0 = memref.load %arg2[%get3A] : memref<12xi32, #tpu.memory_space<smem>>
    %gt3A = arith.constant 0 : i32
    %gt3A_1 = arith.cmpi sgt, %get3A_0, %gt3A : i32
    %jit3A = arith.constant 0 : i32
    %select_n3A = arith.select %gt3A_1, %arg0, %jit3A : i32
    %c0_i32 = arith.constant 0 : i32
    %c0_i32_2 = arith.constant 0 : i32
    return %select_n3A, %c0_i32 : i32, i32
  }
  func.func @transform_1(%arg0: i32, %arg1: memref<12xi32, #tpu.memory_space<smem>>, %arg2: memref<12xi32, #tpu.memory_space<smem>>) -> (i32, i32, i32) {
    %get3A = arith.index_cast %arg0 : i32 to index
    %get3A_0 = memref.load %arg1[%get3A] : memref<12xi32, #tpu.memory_space<smem>>
    %c0_i32 = arith.constant 0 : i32
    %c0_i32_1 = arith.constant 0 : i32
    %c0_i32_2 = arith.constant 0 : i32
    return %get3A_0, %c0_i32, %c0_i32_1 : i32, i32, i32
  }
  func.func @transform_2(%arg0: i32, %arg1: memref<12xi32, #tpu.memory_space<smem>>, %arg2: memref<12xi32, #tpu.memory_space<smem>>) -> (i32, i32, i32) {
    %get3A = arith.index_cast %arg0 : i32 to index
    %get3A_0 = memref.load %arg1[%get3A] : memref<12xi32, #tpu.memory_space<smem>>
    %c0_i32 = arith.constant 0 : i32
    %c0_i32_1 = arith.constant 0 : i32
    %c0_i32_2 = arith.constant 0 : i32
    return %get3A_0, %c0_i32, %c0_i32_1 : i32, i32, i32
  }
  func.func @transform_3(%arg0: i32, %arg1: memref<12xi32, #tpu.memory_space<smem>>, %arg2: memref<12xi32, #tpu.memory_space<smem>>) -> (i32, i32) {
    %get3A = arith.index_cast %arg0 : i32 to index
    %get3A_0 = memref.load %arg2[%get3A] : memref<12xi32, #tpu.memory_space<smem>>
    %gt3A = arith.constant 0 : i32
    %gt3A_1 = arith.cmpi sgt, %get3A_0, %gt3A : i32
    %jit3A = arith.constant 0 : i32
    %select_n3A = arith.select %gt3A_1, %arg0, %jit3A : i32
    %c0_i32 = arith.constant 0 : i32
    %c0_i32_2 = arith.constant 0 : i32
    return %select_n3A, %c0_i32 : i32, i32
  }
  func.func @transform_4(%arg0: i32, %arg1: memref<12xi32, #tpu.memory_space<smem>>, %arg2: memref<12xi32, #tpu.memory_space<smem>>) -> (i32, i32) {
    %c0_i32 = arith.constant 0 : i32
    %c0_i32_0 = arith.constant 0 : i32
    %c0_i32_1 = arith.constant 0 : i32
    return %c0_i32, %c0_i32_0 : i32, i32
  }
  func.func @transform_5(%arg0: i32, %arg1: memref<12xi32, #tpu.memory_space<smem>>, %arg2: memref<12xi32, #tpu.memory_space<smem>>) -> (i32, i32) {
    %get3A = arith.index_cast %arg0 : i32 to index
    %get3A_0 = memref.load %arg2[%get3A] : memref<12xi32, #tpu.memory_space<smem>>
    %gt3A = arith.constant 0 : i32
    %gt3A_1 = arith.cmpi sgt, %get3A_0, %gt3A : i32
    %jit3A = arith.constant 11 : i32
    %select_n3A = arith.select %gt3A_1, %arg0, %jit3A : i32
    %c0_i32 = arith.constant 0 : i32
    %c0_i32_2 = arith.constant 0 : i32
    return %select_n3A, %c0_i32 : i32, i32
  }
  func.func @transform_6(%arg0: i32, %arg1: memref<12xi32, #tpu.memory_space<smem>>, %arg2: memref<12xi32, #tpu.memory_space<smem>>) -> (i32, i32) {
    %get3A = arith.index_cast %arg0 : i32 to index
    %get3A_0 = memref.load %arg2[%get3A] : memref<12xi32, #tpu.memory_space<smem>>
    %gt3A = arith.constant 0 : i32
    %gt3A_1 = arith.cmpi sgt, %get3A_0, %gt3A : i32
    %jit3A = arith.constant 11 : i32
    %select_n3A = arith.select %gt3A_1, %arg0, %jit3A : i32
    %c0_i32 = arith.constant 0 : i32
    %c0_i32_2 = arith.constant 0 : i32
    return %select_n3A, %c0_i32 : i32, i32
  }
  func.func @transform_7(%arg0: i32, %arg1: memref<12xi32, #tpu.memory_space<smem>>, %arg2: memref<12xi32, #tpu.memory_space<smem>>) -> (i32, i32) {
    %c0_i32 = arith.constant 0 : i32
    %c0_i32_0 = arith.constant 0 : i32
    %c0_i32_1 = arith.constant 0 : i32
    return %c0_i32, %c0_i32_0 : i32, i32
  }
}

module attributes {stable_mosaic.version = 14 : i64} {
  func.func @_routing_body(%arg0: memref<2048x768xf32, #tpu.memory_space<vmem>>, %arg1: memref<1x768xf32, #tpu.memory_space<vmem>>, %arg2: memref<768x8xf32, #tpu.memory_space<vmem>>, %arg3: memref<2048x1xi32, #tpu.memory_space<vmem>>, %arg4: memref<2048x1xi32, #tpu.memory_space<vmem>>, %arg5: memref<2048x128xf32, #tpu.memory_space<vmem>>, %arg6: memref<2048x384xi32, #tpu.memory_space<vmem>>, %arg7: memref<1x12xi32, #tpu.memory_space<vmem>>, %arg8: memref<1x12xi32, #tpu.memory_space<vmem>>, %arg9: memref<1x8xf32, #tpu.memory_space<vmem>>, %arg10: memref<1x8xf32, #tpu.memory_space<vmem>>) attributes {dimension_semantics = [], scalar_prefetch = 0 : i64, scratch_operands = 0 : i64, tpu.core_type = #tpu.core_type<tc>} {
    %get3A = arith.constant 0 : index
    %get3A_0 = arith.constant 0 : index
    %get3A_1 = vector.load %arg0[%get3A, %get3A_0] : memref<2048x768xf32, #tpu.memory_space<vmem>>, vector<2048x768xf32>
    %get3A_2 = arith.constant 0 : index
    %get3A_3 = arith.constant 0 : index
    %get3A_4 = vector.load %arg1[%get3A_2, %get3A_3] : memref<1x768xf32, #tpu.memory_space<vmem>>, vector<1x768xf32>
    %sub3A = vector.broadcast %get3A_4 : vector<1x768xf32> to vector<2048x768xf32>
    %sub3A_5 = arith.subf %get3A_1, %sub3A : vector<2048x768xf32>
    %get3A_6 = arith.constant 0 : index
    %get3A_7 = arith.constant 0 : index
    %get3A_8 = vector.load %arg2[%get3A_6, %get3A_7] : memref<768x8xf32, #tpu.memory_space<vmem>>, vector<768x8xf32>
    %dot_general3A = arith.constant dense<0.000000e+00> : vector<2048x8xf32>
    %dot_general3A_9 = tpu.matmul %sub3A_5, %get3A_8, %dot_general3A {dimension_numbers = #tpu.dot_dimension_numbers<[1], [0], [0], [1], [0, 0, 1, 1], [], []>, transpose_lhs_hint = false} : vector<2048x768xf32>, vector<768x8xf32>, vector<2048x8xf32> -> vector<2048x8xf32>
    %reduce_max3A = arith.constant dense<0xFF800000> : vector<2048xf32>
    %reduce_max3A_10 = vector.multi_reduction <maximumf>, %dot_general3A_9, %reduce_max3A [1] : vector<2048x8xf32> to vector<2048xf32>
    %broadcast_in_dim3A = vector.shape_cast %reduce_max3A_10 : vector<2048xf32> to vector<2048x1xf32>
    %sub3A_11 = vector.broadcast %broadcast_in_dim3A : vector<2048x1xf32> to vector<2048x8xf32>
    %sub3A_12 = arith.subf %dot_general3A_9, %sub3A_11 : vector<2048x8xf32>
    %exp3A = math.exp %sub3A_12 : vector<2048x8xf32>
    %reduce_sum3A = arith.constant dense<0.000000e+00> : vector<2048xf32>
    %reduce_sum3A_13 = vector.multi_reduction <add>, %exp3A, %reduce_sum3A [1] : vector<2048x8xf32> to vector<2048xf32>
    %broadcast_in_dim3A_14 = vector.shape_cast %reduce_sum3A_13 : vector<2048xf32> to vector<2048x1xf32>
    %div3A = vector.broadcast %broadcast_in_dim3A_14 : vector<2048x1xf32> to vector<2048x8xf32>
    %div3A_15 = arith.divf %exp3A, %div3A : vector<2048x8xf32>
    %reduce_max3A_16 = arith.constant dense<0xFF800000> : vector<2048xf32>
    %reduce_max3A_17 = vector.multi_reduction <maximumf>, %div3A_15, %reduce_max3A_16 [1] : vector<2048x8xf32> to vector<2048xf32>
    %broadcast_in_dim3A_18 = vector.shape_cast %reduce_max3A_17 : vector<2048xf32> to vector<2048x1xf32>
    %iota3A = tpu.iota {dimensions = array<i32: 1>} : vector<2048x8xi32>
    %eq3A = vector.broadcast %broadcast_in_dim3A_18 : vector<2048x1xf32> to vector<2048x8xf32>
    %eq3A_19 = arith.cmpf oeq, %div3A_15, %eq3A : vector<2048x8xf32>
    %jit3A = arith.constant 8 : i32
    %broadcast_in_dim3A_20 = vector.broadcast %jit3A : i32 to vector<2048x8xi32>
    %select_n3A = arith.select %eq3A_19, %iota3A, %broadcast_in_dim3A_20 : vector<2048x8xi1>, vector<2048x8xi32>
    %reduce_min3A = arith.constant dense<2147483647> : vector<2048xi32>
    %reduce_min3A_21 = vector.multi_reduction <minsi>, %select_n3A, %reduce_min3A [1] : vector<2048x8xi32> to vector<2048xi32>
    %broadcast_in_dim3A_22 = vector.shape_cast %reduce_min3A_21 : vector<2048xi32> to vector<2048x1xi32>
    %eq3A_23 = vector.broadcast %broadcast_in_dim3A_22 : vector<2048x1xi32> to vector<2048x8xi32>
    %eq3A_24 = arith.cmpi eq, %iota3A, %eq3A_23 : vector<2048x8xi32>
    %convert_element_type3A = arith.extui %eq3A_24 : vector<2048x8xi1> to vector<2048x8xi32>
    %broadcast_in_dim3A_25 = arith.constant 0 : i32
    %broadcast_in_dim3A_26 = vector.broadcast %broadcast_in_dim3A_25 : i32 to vector<1x8xi32>
    %slice3A = vector.extract_strided_slice %convert_element_type3A {offsets = [0, 0], sizes = [2047, 8], strides = [1, 1]} : vector<2048x8xi32> to vector<2047x8xi32>
    %concatenate3A = tpu.concatenate %broadcast_in_dim3A_26, %slice3A in 0 : vector<1x8xi32>, vector<2047x8xi32> -> vector<2048x8xi32>
    %add3A = arith.addi %convert_element_type3A, %concatenate3A : vector<2048x8xi32>
    %broadcast_in_dim3A_27 = arith.constant 0 : i32
    %broadcast_in_dim3A_28 = vector.broadcast %broadcast_in_dim3A_27 : i32 to vector<2x8xi32>
    %slice3A_29 = vector.extract_strided_slice %add3A {offsets = [0, 0], sizes = [2046, 8], strides = [1, 1]} : vector<2048x8xi32> to vector<2046x8xi32>
    %concatenate3A_30 = tpu.concatenate %broadcast_in_dim3A_28, %slice3A_29 in 0 : vector<2x8xi32>, vector<2046x8xi32> -> vector<2048x8xi32>
    %add3A_31 = arith.addi %add3A, %concatenate3A_30 : vector<2048x8xi32>
    %broadcast_in_dim3A_32 = arith.constant 0 : i32
    %broadcast_in_dim3A_33 = vector.broadcast %broadcast_in_dim3A_32 : i32 to vector<4x8xi32>
    %slice3A_34 = vector.extract_strided_slice %add3A_31 {offsets = [0, 0], sizes = [2044, 8], strides = [1, 1]} : vector<2048x8xi32> to vector<2044x8xi32>
    %concatenate3A_35 = tpu.concatenate %broadcast_in_dim3A_33, %slice3A_34 in 0 : vector<4x8xi32>, vector<2044x8xi32> -> vector<2048x8xi32>
    %add3A_36 = arith.addi %add3A_31, %concatenate3A_35 : vector<2048x8xi32>
    %broadcast_in_dim3A_37 = arith.constant 0 : i32
    %broadcast_in_dim3A_38 = vector.broadcast %broadcast_in_dim3A_37 : i32 to vector<8x8xi32>
    %slice3A_39 = vector.extract_strided_slice %add3A_36 {offsets = [0, 0], sizes = [2040, 8], strides = [1, 1]} : vector<2048x8xi32> to vector<2040x8xi32>
    %concatenate3A_40 = tpu.concatenate %broadcast_in_dim3A_38, %slice3A_39 in 0 : vector<8x8xi32>, vector<2040x8xi32> -> vector<2048x8xi32>
    %add3A_41 = arith.addi %add3A_36, %concatenate3A_40 : vector<2048x8xi32>
    %broadcast_in_dim3A_42 = arith.constant 0 : i32
    %broadcast_in_dim3A_43 = vector.broadcast %broadcast_in_dim3A_42 : i32 to vector<16x8xi32>
    %slice3A_44 = vector.extract_strided_slice %add3A_41 {offsets = [0, 0], sizes = [2032, 8], strides = [1, 1]} : vector<2048x8xi32> to vector<2032x8xi32>
    %concatenate3A_45 = tpu.concatenate %broadcast_in_dim3A_43, %slice3A_44 in 0 : vector<16x8xi32>, vector<2032x8xi32> -> vector<2048x8xi32>
    %add3A_46 = arith.addi %add3A_41, %concatenate3A_45 : vector<2048x8xi32>
    %broadcast_in_dim3A_47 = arith.constant 0 : i32
    %broadcast_in_dim3A_48 = vector.broadcast %broadcast_in_dim3A_47 : i32 to vector<32x8xi32>
    %slice3A_49 = vector.extract_strided_slice %add3A_46 {offsets = [0, 0], sizes = [2016, 8], strides = [1, 1]} : vector<2048x8xi32> to vector<2016x8xi32>
    %concatenate3A_50 = tpu.concatenate %broadcast_in_dim3A_48, %slice3A_49 in 0 : vector<32x8xi32>, vector<2016x8xi32> -> vector<2048x8xi32>
    %add3A_51 = arith.addi %add3A_46, %concatenate3A_50 : vector<2048x8xi32>
    %broadcast_in_dim3A_52 = arith.constant 0 : i32
    %broadcast_in_dim3A_53 = vector.broadcast %broadcast_in_dim3A_52 : i32 to vector<64x8xi32>
    %slice3A_54 = vector.extract_strided_slice %add3A_51 {offsets = [0, 0], sizes = [1984, 8], strides = [1, 1]} : vector<2048x8xi32> to vector<1984x8xi32>
    %concatenate3A_55 = tpu.concatenate %broadcast_in_dim3A_53, %slice3A_54 in 0 : vector<64x8xi32>, vector<1984x8xi32> -> vector<2048x8xi32>
    %add3A_56 = arith.addi %add3A_51, %concatenate3A_55 : vector<2048x8xi32>
    %broadcast_in_dim3A_57 = arith.constant 0 : i32
    %broadcast_in_dim3A_58 = vector.broadcast %broadcast_in_dim3A_57 : i32 to vector<128x8xi32>
    %slice3A_59 = vector.extract_strided_slice %add3A_56 {offsets = [0, 0], sizes = [1920, 8], strides = [1, 1]} : vector<2048x8xi32> to vector<1920x8xi32>
    %concatenate3A_60 = tpu.concatenate %broadcast_in_dim3A_58, %slice3A_59 in 0 : vector<128x8xi32>, vector<1920x8xi32> -> vector<2048x8xi32>
    %add3A_61 = arith.addi %add3A_56, %concatenate3A_60 : vector<2048x8xi32>
    %broadcast_in_dim3A_62 = arith.constant 0 : i32
    %broadcast_in_dim3A_63 = vector.broadcast %broadcast_in_dim3A_62 : i32 to vector<256x8xi32>
    %slice3A_64 = vector.extract_strided_slice %add3A_61 {offsets = [0, 0], sizes = [1792, 8], strides = [1, 1]} : vector<2048x8xi32> to vector<1792x8xi32>
    %concatenate3A_65 = tpu.concatenate %broadcast_in_dim3A_63, %slice3A_64 in 0 : vector<256x8xi32>, vector<1792x8xi32> -> vector<2048x8xi32>
    %add3A_66 = arith.addi %add3A_61, %concatenate3A_65 : vector<2048x8xi32>
    %broadcast_in_dim3A_67 = arith.constant 0 : i32
    %broadcast_in_dim3A_68 = vector.broadcast %broadcast_in_dim3A_67 : i32 to vector<512x8xi32>
    %slice3A_69 = vector.extract_strided_slice %add3A_66 {offsets = [0, 0], sizes = [1536, 8], strides = [1, 1]} : vector<2048x8xi32> to vector<1536x8xi32>
    %concatenate3A_70 = tpu.concatenate %broadcast_in_dim3A_68, %slice3A_69 in 0 : vector<512x8xi32>, vector<1536x8xi32> -> vector<2048x8xi32>
    %add3A_71 = arith.addi %add3A_66, %concatenate3A_70 : vector<2048x8xi32>
    %broadcast_in_dim3A_72 = arith.constant 0 : i32
    %broadcast_in_dim3A_73 = vector.broadcast %broadcast_in_dim3A_72 : i32 to vector<1024x8xi32>
    %slice3A_74 = vector.extract_strided_slice %add3A_71 {offsets = [0, 0], sizes = [1024, 8], strides = [1, 1]} : vector<2048x8xi32> to vector<1024x8xi32>
    %concatenate3A_75 = tpu.concatenate %broadcast_in_dim3A_73, %slice3A_74 in 0 : vector<1024x8xi32>, vector<1024x8xi32> -> vector<2048x8xi32>
    %add3A_76 = arith.addi %add3A_71, %concatenate3A_75 : vector<2048x8xi32>
    %mul3A = arith.muli %add3A_76, %convert_element_type3A : vector<2048x8xi32>
    %reduce_sum3A_77 = arith.constant dense<0> : vector<2048xi32>
    %reduce_sum3A_78 = vector.multi_reduction <add>, %mul3A, %reduce_sum3A_77 [1] : vector<2048x8xi32> to vector<2048xi32>
    %broadcast_in_dim3A_79 = vector.shape_cast %reduce_sum3A_78 : vector<2048xi32> to vector<2048x1xi32>
    %sub3A_80 = arith.constant 1 : i32
    %sub3A_81 = vector.broadcast %sub3A_80 : i32 to vector<2048x1xi32>
    %sub3A_82 = arith.subi %broadcast_in_dim3A_79, %sub3A_81 : vector<2048x1xi32>
    %slice3A_83 = vector.extract_strided_slice %add3A_76 {offsets = [2047, 0], sizes = [1, 8], strides = [1, 1]} : vector<2048x8xi32> to vector<1x8xi32>
    %add3A_84 = arith.constant 383 : i32
    %add3A_85 = vector.broadcast %add3A_84 : i32 to vector<1x8xi32>
    %add3A_86 = arith.addi %slice3A_83, %add3A_85 : vector<1x8xi32>
    %jit3A_87 = arith.constant 384 : i32
    %div3A_88 = vector.broadcast %jit3A_87 : i32 to vector<1x8xi32>
    %div3A_89 = arith.divsi %add3A_86, %div3A_88 : vector<1x8xi32>
    %sign3A = arith.constant 0 : i32
    %sign3A_90 = vector.broadcast %sign3A : i32 to vector<1x8xi32>
    %sign3A_91 = arith.cmpi sgt, %add3A_86, %sign3A_90 : vector<1x8xi32>
    %sign3A_92 = arith.extui %sign3A_91 : vector<1x8xi1> to vector<1x8xi32>
    %sign3A_93 = arith.constant 0 : i32
    %sign3A_94 = vector.broadcast %sign3A_93 : i32 to vector<1x8xi32>
    %sign3A_95 = arith.cmpi slt, %add3A_86, %sign3A_94 : vector<1x8xi32>
    %sign3A_96 = arith.extui %sign3A_95 : vector<1x8xi1> to vector<1x8xi32>
    %sign3A_97 = arith.subi %sign3A_92, %sign3A_96 : vector<1x8xi32>
    %sign3A_98 = arith.constant 0 : i32
    %sign3A_99 = arith.cmpi sgt, %jit3A_87, %sign3A_98 : i32
    %sign3A_100 = arith.extui %sign3A_99 : i1 to i32
    %sign3A_101 = arith.constant 0 : i32
    %sign3A_102 = arith.cmpi slt, %jit3A_87, %sign3A_101 : i32
    %sign3A_103 = arith.extui %sign3A_102 : i1 to i32
    %sign3A_104 = arith.subi %sign3A_100, %sign3A_103 : i32
    %ne3A = vector.broadcast %sign3A_104 : i32 to vector<1x8xi32>
    %ne3A_105 = arith.cmpi ne, %sign3A_97, %ne3A : vector<1x8xi32>
    %rem3A = vector.broadcast %jit3A_87 : i32 to vector<1x8xi32>
    %rem3A_106 = arith.remsi %add3A_86, %rem3A : vector<1x8xi32>
    %ne3A_107 = arith.constant 0 : i32
    %ne3A_108 = vector.broadcast %ne3A_107 : i32 to vector<1x8xi32>
    %ne3A_109 = arith.cmpi ne, %rem3A_106, %ne3A_108 : vector<1x8xi32>
    %and3A = arith.andi %ne3A_105, %ne3A_109 : vector<1x8xi1>
    %sub3A_110 = arith.constant 1 : i32
    %sub3A_111 = vector.broadcast %sub3A_110 : i32 to vector<1x8xi32>
    %sub3A_112 = arith.subi %div3A_89, %sub3A_111 : vector<1x8xi32>
    %select_n3A_113 = arith.select %and3A, %sub3A_112, %div3A_89 : vector<1x8xi1>, vector<1x8xi32>
    %broadcast_in_dim3A_114 = arith.constant 0 : i32
    %broadcast_in_dim3A_115 = vector.broadcast %broadcast_in_dim3A_114 : i32 to vector<1x1xi32>
    %slice3A_116 = vector.extract_strided_slice %select_n3A_113 {offsets = [0, 0], sizes = [1, 7], strides = [1, 1]} : vector<1x8xi32> to vector<1x7xi32>
    %concatenate3A_117 = tpu.concatenate %broadcast_in_dim3A_115, %slice3A_116 in 1 : vector<1x1xi32>, vector<1x7xi32> -> vector<1x8xi32>
    %add3A_118 = arith.addi %select_n3A_113, %concatenate3A_117 : vector<1x8xi32>
    %broadcast_in_dim3A_119 = arith.constant 0 : i32
    %broadcast_in_dim3A_120 = vector.broadcast %broadcast_in_dim3A_119 : i32 to vector<1x2xi32>
    %slice3A_121 = vector.extract_strided_slice %add3A_118 {offsets = [0, 0], sizes = [1, 6], strides = [1, 1]} : vector<1x8xi32> to vector<1x6xi32>
    %concatenate3A_122 = tpu.concatenate %broadcast_in_dim3A_120, %slice3A_121 in 1 : vector<1x2xi32>, vector<1x6xi32> -> vector<1x8xi32>
    %add3A_123 = arith.addi %add3A_118, %concatenate3A_122 : vector<1x8xi32>
    %broadcast_in_dim3A_124 = arith.constant 0 : i32
    %broadcast_in_dim3A_125 = vector.broadcast %broadcast_in_dim3A_124 : i32 to vector<1x4xi32>
    %slice3A_126 = vector.extract_strided_slice %add3A_123 {offsets = [0, 0], sizes = [1, 4], strides = [1, 1]} : vector<1x8xi32> to vector<1x4xi32>
    %concatenate3A_127 = tpu.concatenate %broadcast_in_dim3A_125, %slice3A_126 in 1 : vector<1x4xi32>, vector<1x4xi32> -> vector<1x8xi32>
    %add3A_128 = arith.addi %add3A_123, %concatenate3A_127 : vector<1x8xi32>
    %sub3A_129 = arith.subi %add3A_128, %select_n3A_113 : vector<1x8xi32>
    %mul3A_130 = arith.constant 384 : i32
    %mul3A_131 = vector.broadcast %mul3A_130 : i32 to vector<1x8xi32>
    %mul3A_132 = arith.muli %sub3A_129, %mul3A_131 : vector<1x8xi32>
    %iota3A_133 = tpu.iota {dimensions = array<i32: 0>} : vector<8x8xi32>
    %iota3A_134 = tpu.iota {dimensions = array<i32: 1>} : vector<8x8xi32>
    %eq3A_135 = arith.cmpi eq, %iota3A_133, %iota3A_134 : vector<8x8xi32>
    %convert_element_type3A_136 = arith.extui %eq3A_135 : vector<8x8xi1> to vector<8x8xi32>
    %convert_element_type3A_137 = arith.sitofp %convert_element_type3A_136 : vector<8x8xi32> to vector<8x8xf32>
    %convert_element_type3A_138 = arith.sitofp %sub3A_129 : vector<1x8xi32> to vector<1x8xf32>
    %dot_general3A_139 = arith.constant dense<0.000000e+00> : vector<8x1xf32>
    %dot_general3A_140 = tpu.matmul %convert_element_type3A_137, %convert_element_type3A_138, %dot_general3A_139 {dimension_numbers = #tpu.dot_dimension_numbers<[1], [1], [0], [0], [0, 0, 1, 0], [], []>, transpose_lhs_hint = false} : vector<8x8xf32>, vector<1x8xf32>, vector<8x1xf32> -> vector<8x1xf32>
    %convert_element_type3A_141 = arith.sitofp %select_n3A_113 : vector<1x8xi32> to vector<1x8xf32>
    %dot_general3A_142 = arith.constant dense<0.000000e+00> : vector<8x1xf32>
    %dot_general3A_143 = tpu.matmul %convert_element_type3A_137, %convert_element_type3A_141, %dot_general3A_142 {dimension_numbers = #tpu.dot_dimension_numbers<[1], [1], [0], [0], [0, 0, 1, 0], [], []>, transpose_lhs_hint = false} : vector<8x8xf32>, vector<1x8xf32>, vector<8x1xf32> -> vector<8x1xf32>
    %convert_element_type3A_144 = arith.sitofp %slice3A_83 : vector<1x8xi32> to vector<1x8xf32>
    %dot_general3A_145 = arith.constant dense<0.000000e+00> : vector<8x1xf32>
    %dot_general3A_146 = tpu.matmul %convert_element_type3A_137, %convert_element_type3A_144, %dot_general3A_145 {dimension_numbers = #tpu.dot_dimension_numbers<[1], [1], [0], [0], [0, 0, 1, 0], [], []>, transpose_lhs_hint = false} : vector<8x8xf32>, vector<1x8xf32>, vector<8x1xf32> -> vector<8x1xf32>
    %iota3A_147 = tpu.iota {dimensions = array<i32: 1>} : vector<1x12xi32>
    %convert_element_type3A_148 = arith.sitofp %iota3A_147 : vector<1x12xi32> to vector<1x12xf32>
    %ge3A = vector.broadcast %convert_element_type3A_148 : vector<1x12xf32> to vector<8x12xf32>
    %ge3A_149 = vector.broadcast %dot_general3A_140 : vector<8x1xf32> to vector<8x12xf32>
    %ge3A_150 = arith.cmpf oge, %ge3A, %ge3A_149 : vector<8x12xf32>
    %convert_element_type3A_151 = arith.extui %ge3A_150 : vector<8x12xi1> to vector<8x12xi32>
    %convert_element_type3A_152 = arith.sitofp %convert_element_type3A_151 : vector<8x12xi32> to vector<8x12xf32>
    %add3A_153 = arith.addf %dot_general3A_140, %dot_general3A_143 : vector<8x1xf32>
    %lt3A = vector.broadcast %convert_element_type3A_148 : vector<1x12xf32> to vector<8x12xf32>
    %lt3A_154 = vector.broadcast %add3A_153 : vector<8x1xf32> to vector<8x12xf32>
    %lt3A_155 = arith.cmpf olt, %lt3A, %lt3A_154 : vector<8x12xf32>
    %convert_element_type3A_156 = arith.extui %lt3A_155 : vector<8x12xi1> to vector<8x12xi32>
    %convert_element_type3A_157 = arith.sitofp %convert_element_type3A_156 : vector<8x12xi32> to vector<8x12xf32>
    %mul3A_158 = arith.mulf %convert_element_type3A_152, %convert_element_type3A_157 : vector<8x12xf32>
    %reduce_sum3A_159 = arith.constant dense<0.000000e+00> : vector<12xf32>
    %reduce_sum3A_160 = vector.multi_reduction <add>, %convert_element_type3A_152, %reduce_sum3A_159 [0] : vector<8x12xf32> to vector<12xf32>
    %broadcast_in_dim3A_161 = vector.shape_cast %reduce_sum3A_160 : vector<12xf32> to vector<1x12xf32>
    %sub3A_162 = arith.constant 1.000000e+00 : f32
    %sub3A_163 = vector.broadcast %sub3A_162 : f32 to vector<1x12xf32>
    %sub3A_164 = arith.subf %broadcast_in_dim3A_161, %sub3A_163 : vector<1x12xf32>
    %mul3A_165 = vector.broadcast %dot_general3A_146 : vector<8x1xf32> to vector<8x12xf32>
    %mul3A_166 = arith.mulf %mul3A_158, %mul3A_165 : vector<8x12xf32>
    %reduce_sum3A_167 = arith.constant dense<0.000000e+00> : vector<12xf32>
    %reduce_sum3A_168 = vector.multi_reduction <add>, %mul3A_166, %reduce_sum3A_167 [0] : vector<8x12xf32> to vector<12xf32>
    %broadcast_in_dim3A_169 = vector.shape_cast %reduce_sum3A_168 : vector<12xf32> to vector<1x12xf32>
    %mul3A_170 = vector.broadcast %dot_general3A_140 : vector<8x1xf32> to vector<8x12xf32>
    %mul3A_171 = arith.mulf %mul3A_158, %mul3A_170 : vector<8x12xf32>
    %reduce_sum3A_172 = arith.constant dense<0.000000e+00> : vector<12xf32>
    %reduce_sum3A_173 = vector.multi_reduction <add>, %mul3A_171, %reduce_sum3A_172 [0] : vector<8x12xf32> to vector<12xf32>
    %broadcast_in_dim3A_174 = vector.shape_cast %reduce_sum3A_173 : vector<12xf32> to vector<1x12xf32>
    %sub3A_175 = arith.subf %convert_element_type3A_148, %broadcast_in_dim3A_174 : vector<1x12xf32>
    %mul3A_176 = arith.constant 3.840000e+02 : f32
    %mul3A_177 = vector.broadcast %mul3A_176 : f32 to vector<1x12xf32>
    %mul3A_178 = arith.mulf %sub3A_175, %mul3A_177 : vector<1x12xf32>
    %sub3A_179 = arith.subf %broadcast_in_dim3A_169, %mul3A_178 : vector<1x12xf32>
    %jit3A_180 = arith.constant 0.000000e+00 : f32
    %jit3A_181 = arith.constant 3.840000e+02 : f32
    %max3A = vector.broadcast %jit3A_180 : f32 to vector<1x12xf32>
    %max3A_182 = arith.maximumf %max3A, %sub3A_179 : vector<1x12xf32>
    %min3A = vector.broadcast %jit3A_181 : f32 to vector<1x12xf32>
    %min3A_183 = arith.minimumf %min3A, %max3A_182 : vector<1x12xf32>
    %swap3A = arith.constant 0 : index
    %swap3A_184 = arith.constant 0 : index
    %swap3A_185 = vector.load %arg3[%swap3A, %swap3A_184] : memref<2048x1xi32, #tpu.memory_space<vmem>>, vector<2048x1xi32>
    tpu.vector_store %arg3[%swap3A, %swap3A_184], %broadcast_in_dim3A_22 {strides = array<i32>} : memref<2048x1xi32, #tpu.memory_space<vmem>>, vector<2048x1xi32>,
    %mul3A_186 = vector.broadcast %mul3A_132 : vector<1x8xi32> to vector<2048x8xi32>
    %mul3A_187 = arith.muli %convert_element_type3A, %mul3A_186 : vector<2048x8xi32>
    %reduce_sum3A_188 = arith.constant dense<0> : vector<2048xi32>
    %reduce_sum3A_189 = vector.multi_reduction <add>, %mul3A_187, %reduce_sum3A_188 [1] : vector<2048x8xi32> to vector<2048xi32>
    %broadcast_in_dim3A_190 = vector.shape_cast %reduce_sum3A_189 : vector<2048xi32> to vector<2048x1xi32>
    %add3A_191 = arith.addi %broadcast_in_dim3A_190, %sub3A_82 : vector<2048x1xi32>
    %swap3A_192 = arith.constant 0 : index
    %swap3A_193 = arith.constant 0 : index
    %swap3A_194 = vector.load %arg4[%swap3A_192, %swap3A_193] : memref<2048x1xi32, #tpu.memory_space<vmem>>, vector<2048x1xi32>
    tpu.vector_store %arg4[%swap3A_192, %swap3A_193], %add3A_191 {strides = array<i32>} : memref<2048x1xi32, #tpu.memory_space<vmem>>, vector<2048x1xi32>,
    %broadcast_in_dim3A_195 = vector.shape_cast %broadcast_in_dim3A_18 : vector<2048x1xf32> to vector<2048x1xf32>
    %broadcast_in_dim3A_196 = vector.broadcast %broadcast_in_dim3A_195 : vector<2048x1xf32> to vector<2048x128xf32>
    %swap3A_197 = arith.constant 0 : index
    %swap3A_198 = arith.constant 0 : index
    %swap3A_199 = vector.load %arg5[%swap3A_197, %swap3A_198] : memref<2048x128xf32, #tpu.memory_space<vmem>>, vector<2048x128xf32>
    tpu.vector_store %arg5[%swap3A_197, %swap3A_198], %broadcast_in_dim3A_196 {strides = array<i32>} : memref<2048x128xf32, #tpu.memory_space<vmem>>, vector<2048x128xf32>,
    %bitcast_convert_type3A = tpu.bitcast %get3A_1 : vector<2048x768xf32> -> vector<2048x768xi32>
    %slice3A_200 = vector.extract_strided_slice %bitcast_convert_type3A {offsets = [0, 0], sizes = [2048, 384], strides = [1, 1]} : vector<2048x768xi32> to vector<2048x384xi32>
    %slice3A_201 = vector.extract_strided_slice %bitcast_convert_type3A {offsets = [0, 384], sizes = [2048, 384], strides = [1, 1]} : vector<2048x768xi32> to vector<2048x384xi32>
    %shift_right_logical3A = arith.constant 16 : i32
    %shift_right_logical3A_202 = vector.broadcast %shift_right_logical3A : i32 to vector<2048x384xi32>
    %shift_right_logical3A_203 = arith.shrui %slice3A_200, %shift_right_logical3A_202 : vector<2048x384xi32>
    %and3A_204 = arith.constant 1 : i32
    %and3A_205 = vector.broadcast %and3A_204 : i32 to vector<2048x384xi32>
    %and3A_206 = arith.andi %shift_right_logical3A_203, %and3A_205 : vector<2048x384xi32>
    %add3A_207 = arith.constant 32767 : i32
    %add3A_208 = vector.broadcast %add3A_207 : i32 to vector<2048x384xi32>
    %add3A_209 = arith.addi %add3A_208, %and3A_206 : vector<2048x384xi32>
    %add3A_210 = arith.addi %slice3A_200, %add3A_209 : vector<2048x384xi32>
    %shift_right_logical3A_211 = arith.constant 16 : i32
    %shift_right_logical3A_212 = vector.broadcast %shift_right_logical3A_211 : i32 to vector<2048x384xi32>
    %shift_right_logical3A_213 = arith.shrui %add3A_210, %shift_right_logical3A_212 : vector<2048x384xi32>
    %shift_right_logical3A_214 = arith.constant 16 : i32
    %shift_right_logical3A_215 = vector.broadcast %shift_right_logical3A_214 : i32 to vector<2048x384xi32>
    %shift_right_logical3A_216 = arith.shrui %slice3A_201, %shift_right_logical3A_215 : vector<2048x384xi32>
    %and3A_217 = arith.constant 1 : i32
    %and3A_218 = vector.broadcast %and3A_217 : i32 to vector<2048x384xi32>
    %and3A_219 = arith.andi %shift_right_logical3A_216, %and3A_218 : vector<2048x384xi32>
    %add3A_220 = arith.constant 32767 : i32
    %add3A_221 = vector.broadcast %add3A_220 : i32 to vector<2048x384xi32>
    %add3A_222 = arith.addi %add3A_221, %and3A_219 : vector<2048x384xi32>
    %add3A_223 = arith.addi %slice3A_201, %add3A_222 : vector<2048x384xi32>
    %shift_right_logical3A_224 = arith.constant 16 : i32
    %shift_right_logical3A_225 = vector.broadcast %shift_right_logical3A_224 : i32 to vector<2048x384xi32>
    %shift_right_logical3A_226 = arith.shrui %add3A_223, %shift_right_logical3A_225 : vector<2048x384xi32>
    %shift_left3A = arith.constant 16 : i32
    %shift_left3A_227 = vector.broadcast %shift_left3A : i32 to vector<2048x384xi32>
    %shift_left3A_228 = arith.shli %shift_right_logical3A_213, %shift_left3A_227 : vector<2048x384xi32>
    %or3A = arith.ori %shift_left3A_228, %shift_right_logical3A_226 : vector<2048x384xi32>
    %bitcast_convert_type3A_229 = tpu.bitcast %or3A : vector<2048x384xi32> -> vector<2048x384xi32>
    %swap3A_230 = arith.constant 0 : index
    %swap3A_231 = arith.constant 0 : index
    %swap3A_232 = vector.load %arg6[%swap3A_230, %swap3A_231] : memref<2048x384xi32, #tpu.memory_space<vmem>>, vector<2048x384xi32>
    tpu.vector_store %arg6[%swap3A_230, %swap3A_231], %bitcast_convert_type3A_229 {strides = array<i32>} : memref<2048x384xi32, #tpu.memory_space<vmem>>, vector<2048x384xi32>,
    %convert_element_type3A_233 = arith.fptosi %sub3A_164 : vector<1x12xf32> to vector<1x12xi32>
    %swap3A_234 = arith.constant 0 : index
    %swap3A_235 = arith.constant 0 : index
    %swap3A_236 = vector.load %arg7[%swap3A_234, %swap3A_235] : memref<1x12xi32, #tpu.memory_space<vmem>>, vector<1x12xi32>
    tpu.vector_store %arg7[%swap3A_234, %swap3A_235], %convert_element_type3A_233 {strides = array<i32>} : memref<1x12xi32, #tpu.memory_space<vmem>>, vector<1x12xi32>,
    %convert_element_type3A_237 = arith.fptosi %min3A_183 : vector<1x12xf32> to vector<1x12xi32>
    %swap3A_238 = arith.constant 0 : index
    %swap3A_239 = arith.constant 0 : index
    %swap3A_240 = vector.load %arg8[%swap3A_238, %swap3A_239] : memref<1x12xi32, #tpu.memory_space<vmem>>, vector<1x12xi32>
    tpu.vector_store %arg8[%swap3A_238, %swap3A_239], %convert_element_type3A_237 {strides = array<i32>} : memref<1x12xi32, #tpu.memory_space<vmem>>, vector<1x12xi32>,
    %convert_element_type3A_241 = arith.sitofp %slice3A_83 : vector<1x8xi32> to vector<1x8xf32>
    %div3A_242 = arith.constant 2.048000e+03 : f32
    %div3A_243 = vector.broadcast %div3A_242 : f32 to vector<1x8xf32>
    %div3A_244 = arith.divf %convert_element_type3A_241, %div3A_243 : vector<1x8xf32>
    %swap3A_245 = arith.constant 0 : index
    %swap3A_246 = arith.constant 0 : index
    %swap3A_247 = vector.load %arg9[%swap3A_245, %swap3A_246] : memref<1x8xf32, #tpu.memory_space<vmem>>, vector<1x8xf32>
    tpu.vector_store %arg9[%swap3A_245, %swap3A_246], %div3A_244 {strides = array<i32>} : memref<1x8xf32, #tpu.memory_space<vmem>>, vector<1x8xf32>,
    %reduce_sum3A_248 = arith.constant dense<0.000000e+00> : vector<8xf32>
    %reduce_sum3A_249 = vector.multi_reduction <add>, %div3A_15, %reduce_sum3A_248 [0] : vector<2048x8xf32> to vector<8xf32>
    %broadcast_in_dim3A_250 = vector.shape_cast %reduce_sum3A_249 : vector<8xf32> to vector<1x8xf32>
    %div3A_251 = arith.constant 2.048000e+03 : f32
    %div3A_252 = vector.broadcast %div3A_251 : f32 to vector<1x8xf32>
    %div3A_253 = arith.divf %broadcast_in_dim3A_250, %div3A_252 : vector<1x8xf32>
    %swap3A_254 = arith.constant 0 : index
    %swap3A_255 = arith.constant 0 : index
    %swap3A_256 = vector.load %arg10[%swap3A_254, %swap3A_255] : memref<1x8xf32, #tpu.memory_space<vmem>>, vector<1x8xf32>
    tpu.vector_store %arg10[%swap3A_254, %swap3A_255], %div3A_253 {strides = array<i32>} : memref<1x8xf32, #tpu.memory_space<vmem>>, vector<1x8xf32>,
    return
  }
}

</mosaic_0001>

<sc_bundles>
// kernel: kernel.6.cloned.1.call-start
scs
__scs_entry_jumppad:
0x0: {  	(pc) =	sbr.rel $0x88, $3  }
0x1: {  	(tag) =	ssettag $0x0;
	lr =	simm.s32 $0x1  }
0x2: {  	[smem:$0x3F9B] =	sst lr;
	_ =	strace $0xD0000000  }
0x3: {  	_ = 	snop  }
0x4: {  	_ = 	snop  }
0x5: {  	_ = 	snop  }
0x6: {  	_ = 	snop  }
0x7: {  	_ = 	snop  }
__scs_overlays_trampoline_lowered:
0x8: {  	[smem:$0x3FAA] =	sst s0  }
0x9: {  	[smem:$0x3FAB] =	sst s1  }
0xa: {  	[smem:$0x3FAC] =	sst s2  }
0xb: {  	[smem:$0x3FAD] =	sst s3  }
0xc: {  	[smem:$0x3FAE] =	sst s4  }
0xd: {  	[smem:$0x3FAF] =	sst s5  }
0xe: {  	[smem:$0x3FB0] =	sst s6  }
0xf: {  	[smem:$0x3FB1] =	sst s7  }
0x10: {  	[smem:$0x3FB2] =	sst s8  }
0x11: {  	[smem:$0x3FB3] =	sst s9;
	s0 =	simm.s32 @!p0 $0x0  }
0x12: {  	s1 =	sld [smem:$0x3F99];
	s0 =	simm.s32 @p0 $0x1  }
0x13: {  	[smem:$0x3FB4] =	sst s0;
	s0 =	simm.s32 @!p1 $0x0  }
0x14: {  	s2 =	sld [smem:$0x3F98];
	s0 =	simm.s32 @p1 $0x1  }
0x15: {  	[smem:$0x3FB5] =	sst s0;
	s0 =	simm.s32 @!p2 $0x0  }
0x16: {  	s3 =	sld [smem:$0x3FDB];
	s0 =	simm.s32 @p2 $0x1  }
0x17: {  	s4 =	simm.s32 $0x1BF5;
	[smem:$0x3FB7] =	sst s0  }
0x18: {  	s0 =	sld [smem:$0x3F9A];
	_ =	swait.ge [sflag:s4], $0x0  }
0x19: {  	s7 =	sld [smem:$0x3F9B]  }
0x1a: {  	s8 =	sadd.s32 $0xFFFFE003, lr  }
0x1b: {  	s9 =	sadd.s32 $0xFFFFFEF7, lr;
	s5 =	simm.s32 $0xFFFFFFFF;
	p2 =	slt.u32 s8, $0xFFFFF086  }
0x1c: {  	p1 =	slt.u32 s9, $0xF7A;
	s5 =	simm.s32 @!p2 $0x0  }
0x1d: {  	s5 =	simm.s32 @p1 $0x1;
	p0 =	seq.s32 s7, s2  }
0x1e: {  	s7 =	smul.u32 @!p0 $0xF7A, s2;
	p2 =	seq.s32 @!p0 s5, $0x0  }
0x1f: {  	s9 =	smul.u32 $0xF7A, s1;
	s8 =	simm.s32 @!p0 $0x1BF5;
	p2 =	por !p2, p0  }
0x20: {  	[sflag:s8] =	ssyncset.s32 @!p0 $0xFFFFF086;
	s6 =	sadd.s32 @!p0 s3, s7;
	s7 =	simm.s32 @!p0 $0x108  }
0x21: {  	s3 =	sadd.s32 s3, s9;
	s6 =	sadd.s32 @!p0 $0x88, s6;
	s7 =	simm.s32 @p2 $0x1082  }
0x22: {  	[simem:s7], [sflag:s8] =	dma.local @!p0 [hbm:s6], $0xF7A  }
0x23: {  	s9 =	sor.u32 $0xD0000000, s2;
	s6 =	simm.s32 $0x108;
	_ =	swait.ge @!p0 [sflag:s8], $0x0  }
0x24: {  	s3 =	sadd.s32 $0x88, s3;
	s6 =	simm.s32 @!p1 $0x1082;
	[sflag:s4] =	ssyncset.s32 $0xFFFFF086  }
0x25: {  	[simem:s6], [sflag:s4] =	dma.local [hbm:s3], $0xF7A  }
0x26: {  	[smem:$0x3F9B] =	sst s1;
	(tag) =	ssettag s2;
	_ =	strace s9  }
0x27: {  	s1 =	sld [smem:$0x3FAB]  }
0x28: {  	s2 =	sld [smem:$0x3FAC]  }
0x29: {  	s4 =	sld [smem:$0x3FAE]  }
0x2a: {  	p0 =	seq.s32 s5, $0x0;
	s5 =	sld [smem:$0x3FAF]  }
0x2b: {  	s6 =	sld [smem:$0x3FB0]  }
0x2c: {  	s7 =	sld [smem:$0x3FB1]  }
0x2d: {  	s3 =	simm.s32 $0x108;
	s8 =	sld [smem:$0x3FB2]  }
0x2e: {  	s3 =	simm.s32 @!p0 $0x1082;
	s9 =	sld [smem:$0x3FB3]  }
0x2f: {  	lr =	sadd.s32 s0, s3;
	s0 =	sld [smem:$0x3FAA]  }
0x30: {  	s3 =	sld [smem:$0x3FAD]  }
0x31: {  	[smem:$0x3FB6] =	sst s10  }
0x32: {  	s10 =	sld [smem:$0x3FB4];
	_ =	sdelay $0x3  }
0x33: {  	p0 =	seq.s32 s10, $0x1;
	s10 =	sld [smem:$0x3FB6];
	_ =	sdelay $0x3  }
0x34: {  	[smem:$0x3FB6] =	sst s10  }
0x35: {  	s10 =	sld [smem:$0x3FB5];
	_ =	sdelay $0x3  }
0x36: {  	p1 =	seq.s32 s10, $0x1;
	s10 =	sld [smem:$0x3FB6];
	_ =	sdelay $0x3  }
0x37: {  	[smem:$0x3FB6] =	sst s10  }
0x38: {  	s10 =	sld [smem:$0x3FB7]  }
0x39: {  	_ = 	snop;
	(pc) =	sbr.ind lr, $3  }
0x3a: {  	_ = 	snop  }
0x3b: {  	_ = 	snop  }
0x3c: {  	p2 =	seq.s32 s10, $0x1;
	s10 =	sld [smem:$0x3FB6]  }
0x3d: {  	_ =	shalt  }
0x3e: {  	_ =	shalt  }
0x3f: {  	_ =	shalt  }
0x40: {  	_ =	shalt  }
0x41: {  	_ =	shalt  }
0x42: {  	_ =	shalt  }
0x43: {  	_ =	shalt  }
0x44: {  	_ =	shalt  }
0x45: {  	_ =	shalt  }
0x46: {  	_ =	shalt  }
0x47: {  	_ =	shalt  }
0x48: {  	_ =	shalt  }
0x49: {  	_ =	shalt  }
0x4a: {  	_ =	shalt  }
0x4b: {  	_ =	shalt  }
0x4c: {  	_ =	shalt  }
0x4d: {  	_ =	shalt  }
0x4e: {  	_ =	shalt  }
0x4f: {  	_ =	shalt  }
0x50: {  	_ =	shalt  }
0x51: {  	_ =	shalt  }
0x52: {  	_ =	shalt  }
0x53: {  	_ =	shalt  }
0x54: {  	_ =	shalt  }
0x55: {  	_ =	shalt  }
0x56: {  	_ =	shalt  }
0x57: {  	_ =	shalt  }
0x58: {  	_ =	shalt  }
0x59: {  	_ =	shalt  }
0x5a: {  	_ =	shalt  }
0x5b: {  	_ =	shalt  }
0x5c: {  	_ =	shalt  }
0x5d: {  	_ =	shalt  }
0x5e: {  	_ =	shalt  }
0x5f: {  	_ =	shalt  }
0x60: {  	_ =	shalt  }
0x61: {  	_ =	shalt  }
0x62: {  	_ =	shalt  }
0x63: {  	_ =	shalt  }
0x64: {  	_ =	shalt  }
0x65: {  	_ =	shalt  }
0x66: {  	_ =	shalt  }
0x67: {  	_ =	shalt  }
0x68: {  	_ =	shalt  }
0x69: {  	_ =	shalt  }
0x6a: {  	_ =	shalt  }
0x6b: {  	_ =	shalt  }
0x6c: {  	_ =	shalt  }
0x6d: {  	_ =	shalt  }
0x6e: {  	_ =	shalt  }
0x6f: {  	_ =	shalt  }
0x70: {  	_ =	shalt  }
0x71: {  	_ =	shalt  }
0x72: {  	_ =	shalt  }
0x73: {  	_ =	shalt  }
0x74: {  	_ =	shalt  }
0x75: {  	_ =	shalt  }
0x76: {  	_ =	shalt  }
0x77: {  	_ =	shalt  }
0x78: {  	_ =	shalt  }
0x79: {  	_ =	shalt  }
0x7a: {  	_ =	shalt  }
0x7b: {  	_ =	shalt  }
0x7c: {  	_ =	shalt  }
0x7d: {  	_ =	shalt  }
0x7e: {  	_ =	shalt  }
0x7f: {  	_ =	shalt  }
0x80: {  	_ =	shalt  }
0x81: {  	_ =	shalt  }
0x82: {  	_ =	shalt  }
0x83: {  	_ =	shalt  }
0x84: {  	_ =	shalt  }
0x85: {  	_ =	shalt  }
0x86: {  	_ =	shalt  }
0x87: {  	_ =	shalt  }
.Lfunc_end0:
.L_simem_size_0:
called_computation_lowered:
.L_overlay_start_0:
0x88: {  	s2 =	sld [smem:$0x3FD9]  }
0x89: {  	s3 =	sld [smem:$0x3FFE];
	_ =	sdelay $0x1  }
0x8a: {  	s1 =	srdreg.scid  }
0x8b: {  	s0 =	sand.u32 $0x1, s1  }
0x8c: {  	s14 =	sshll.u32 s0, $0xA;
	s2 =	sadd.s32 s3, s2  }
0x8d: {  	s2 =	sadd.s32 s2, s14  }
0x8e: {  	[smem:$0x3FC2] =	sst s2  }
0x8f: {  	_ = 	snop  }
0x90: {  	s2 =	sld [smem:$0x3FD0];
	_ =	sdelay $0x2  }
0x91: {  	s15 =	simm.s32 $0xA;
	s4 =	simm.s32 $0x10  }
0x92: {  	[smem:s4], [sflag:s15] =	dma.local [hbm:s2], $0x1  }
0x93: {  	_ =	swait.eq [sflag:s15], $0x1  }
0x94: {  	[sflag:s15] =	ssyncset.done $0x0  }
0x95: {  	s16 =	sld [smem:$0x10];
	[sflag:s15] =	ssyncadd.s32 $0xFFFFFFFF  }
0x96: {  	s17 =	sld [smem:$0x11];
	(tm) =	ssettm $0x1  }
0x97: {  	s18 =	sld [smem:$0x3FFB];
	_ =	sdelay $0x3  }
0x98: {  	_ =	strace s18  }
0x99: {  	s4 =	sld [smem:$0x3FFC];
	_ =	sdelay $0x3  }
0x9a: {  	_ =	strace s4  }
0x9b: {  	s4 =	sld [smem:$0x3FFD];
	_ =	sdelay $0x3  }
0x9c: {  	_ =	strace s4  }
0x9d: {  	_ =	strace $0x8FFFFFFF  }
0x9e: {  	s19 =	sld [smem:$0x3FDB];
	_ =	sdelay $0x1  }
0x9f: {  	s5 =	simm.s32 $_scs_section_size  }
0xa0: {  	s6 =	simm.s32 $_size__tile_overlayer_lowered;
	s7 =	simm.s32 $_tile_overlayer_lowered  }
0xa1: {  	s22 =	simm.s32 $0x1BFF;
	s21 =	sshll.u32 s7, $0x1;
	s4 =	sadd.s32 s5, s19  }
0xa2: {  	s8 =	simm.s32 $0x0;
	s20 =	sshll.u32 s6, $0x1;
	s6 =	sadd.s32 s21, s4  }
0xa3: {  	[timem:s8], [sflag:s22] =	dma.local [hbm:s6], s20  }
0xa4: {  	_ =	swait.ge [sflag:s22], s20  }
0xa5: {  	s5 =	ssub.s32 $0x0, s20;
	[sflag:s22] =	ssyncset.done $0x0  }
0xa6: {  	[sflag:s22] =	ssyncadd.s32 s5;
	_ =	sdelay $0x1  }
0xa7: {  	s23 =	simm.s32 $0x1B8B  }
0xa8: {  	_ =	swait.ge [sflag:s23], $0x1  }
0xa9: {  	[sflag:s23] =	ssyncset.done $0x0  }
0xaa: {  	s25 =	simm.s32 $0x1B8E;
	s24 =	sld [smem:$0x3FFE];
	[sflag:s23] =	ssyncadd.s32 $0xFFFFFFFF  }
0xab: {  	s26 =	simm.s32 $execute0_lowered;
	[smem:$0x3FD2] =	sst s25  }
0xac: {  	s6 =	sshll.u32 s26, $0x1;
	_ =	strace $0x80000046;
	[dreg:$0x1] =	wrdreg $0xFFFFFFFF  }
0xad: {  	s28 =	simm.s32 $_size_execute0_lowered;
	s4 =	sadd.s32 s4, s6;
	[dreg:$0x0] =	wrdreg $0x0  }
0xae: {  	s6 =	sshll.u32 s28, $0x1;
	[dreg:$0x2] =	wrdreg s4  }
0xaf: {  	[dreg:$0x3] =	wrdreg s6  }
0xb0: {  	[dreg:$0x4] =	wrdreg $0xC0  }
0xb1: {  	_ =	task [dreg:s8], $0x5FFFF  }
0xb2: {  	[dreg:$0x1] =	wrdreg $0xFFFFFFFF  }
0xb3: {  	[dreg:$0x0] =	wrdreg $0x60  }
0xb4: {  	[dreg:$0x2] =	wrdreg s17  }
0xb5: {  	[dreg:$0x3] =	wrdreg s24  }
0xb6: {  	[dreg:$0x4] =	wrdreg s16  }
0xb7: {  	[dreg:$0x5] =	wrdreg $0x9  }
0xb8: {  	_ =	task.clear_ibuf [dreg:s8], $0x6FFFF;
	_ =	strace $0x90000046  }
0xb9: {  	s29 =	simm.s32 $0x9;
	_ =	strace $0x80000048  }
0xba: {  	_ =	swait.ge [sflag:s29], $0x1  }
0xbb: {  	[sflag:s29] =	ssyncadd.s32 $0xFFFFFFFF  }
0xbc: {  	_ =	strace $0x90000048  }
0xbd: {  	_ =	sfence  }
0xbe: {  	s30 =	sld [smem:$0x0];
	_ =	sdelay $0x2  }
0xbf: {  	s31 =	sshll.u32 s1, $0xD;
	s1 =	sshrl.u32 s1, $0x2  }
0xc0: {  	s3 =	sand.u32 $0x4000, s31;
	s1 =	sadd.s32 s1, s30  }
0xc1: {  	s0 =	sor.u32 s3, s0;
	s1 =	sshll.u32 s1, $0x11  }
0xc2: {  	s0 =	sor.u32 s1, s0  }
0xc3: {  	s0 =	sadd.s32 $0x8F2B, s0  }
0xc4: {  	[sflag:s0] =	ssyncadd.remote.s32 $0x1  }
0xc5: {  	_ =	sfence.sel $0xFFFF  }
0xc6: {  	[dreg:$0x0] =	wrdreg $0xFFFFFFFF;
	(pc) =	sbr.abs _section_cstart, $3  }
0xc7: {  	[dreg:$0x1] =	wrdreg $0xFFFFFFFF  }
0xc8: {  	_ =	task.clear_ibuf [dreg:s8], $0x2FFFF;
	_ =	strace $0x9FFFFFFF  }
0xc9: {  	(tm) =	ssettm $0x7FFFFFFF  }
tec
execute0_lowered:
.L_overlay_start_1:
0x0: {  	(tag) =	ssettag $0x1  }
0x1: {  	s6 =	rddreg [dreg:$0x0]  }
0x2: {  	s1 =	srdreg.scid;
	s8 =	rddreg [dreg:$0x1]  }
0x3: {  	s0 =	stileid.u32;
	s2 =	rddreg [dreg:$0x2];
	s3 =	simm.s32 $0x0  }
0x4: {  	s12 =	simm.s32 $0x1;
	s13 =	simm.s32 $0x2;
	s14 =	simm.s32 $0x3  }
0x5: {  	s15 =	simm.s32 $0x880;
	s16 =	simm.s32 $0xC80;
	s17 =	simm.s32 $0x1480  }
0x6: {  	s18 =	simm.s32 $0x1880;
	s19 =	simm.s32 $0x2080;
	s20 =	simm.s32 $0x2480  }
0x7: {  	s21 =	simm.s32 $0x2C80;
	s22 =	simm.s32 $0x3080;
	s23 =	simm.s32 $0x3880  }
0x8: {  	s24 =	simm.s32 $0x3C80;
	s25 =	simm.s32 $0x4480;
	s28 =	simm.s32 $0x5080  }
0x9: {  	s29 =	simm.s32 $0x5480;
	s30 =	simm.s32 $0x5C80;
	s31 =	simm.s32 $0x40  }
0xa: {  	s4 =	sand.u32 $0x1, s1;
	s5 =	sshll.u32 s0, $0x7;
	[smem:$0x7FF] =	sst s3  }
0xb: {  	s1 =	rddreg [dreg:$0x3];
	s7 =	sshll.u32 s4, $0x6;
	_ =	strace $0x80000047  }
0xc: {  	s10 =	ssub.s32 $0x2, s4;
	s4 =	sadd.s32 $0x9800, s8;
	s5 =	sor.u32 s7, s5  }
0xd: {  	s26 =	sshrl.u32 s10, $0x1;
	s7 =	sshrl.u32 s5, $0x3;
	s5 =	sshll.u32 s5, $0x4  }
0xe: {  	s10 =	ssub.s32 s10, s26;
	s26 =	simm.s32 $0x4880;
	s9 =	sadd.s32 s7, s8  }
0xf: {  	v2 =	vlaneseq.u32;
	s7 =	smul.u32 $0x180, s7;
	s11 =	sadd.s32 s5, s8;
	s8 =	sadd.s32 $0x9900, s8  }
0x10: {  	vm0 =	vmmov $0xffff;
	vm1 =	vmmov $0xff;
	v1 =	vshrl.u32 v2, $0x3;
	s5 =	sadd.s32 $0x9600, s9;
	s9 =	smax.u32 s10, $0x1;
	s10 =	simm.s32 $0x80  }
0x11: {  	v0 =	vand.u32 $0x7, v2;
	v2 =	vor.u32 $0x8, v2;
	v1 =	vmul.u32 $0x8, v1;
	s6 =	sadd.s32 s6, s7;
	s7 =	sadd.s32 $0x1600, s11;
	s11 =	simm.s32 $0x6080  }
.LBB2_1:
0x12: {  	[tilespmem:s3], [sflag:$0x1] =	stream.linear.gather [hbm4b:s5+s3], $0x40, $0x38;
	[tilespmem:$0x8080] =	vst v63  }
0x13: {  	_ = 	snop  }
0x14: {  	[tilespmem:s10], [sflag:$0x2] =	stream.linear.gather [hbm4b:s6+s3], $0x6000, $0x38;
	[tilespmem:$0x8080] =	vst v63  }
0x15: {  	_ = 	snop  }
0x16: {  	[tilespmem:s11], [sflag:$0x3] =	stream.linear.gather [hbm4b:s7+s3], $0x2000, $0x38;
	[tilespmem:$0x8080] =	vst v63  }
0x17: {  	_ =	swait.ge [sflag:s12], $0x40  }
0x18: {  	[sflag:s12] =	ssyncset.done $0x0  }
0x19: {  	[sflag:s12] =	ssyncadd.s32 $0xFFFFFFC0  }
0x1a: {  	_ =	swait.ge [sflag:s13], $0x6000  }
0x1b: {  	[sflag:s13] =	ssyncset.done $0x0  }
0x1c: {  	[sflag:s13] =	ssyncadd.s32 $0xFFFFA000  }
0x1d: {  	_ =	swait.ge [sflag:s14], $0x2000  }
0x1e: {  	[sflag:s14] =	ssyncset.done $0x0  }
0x1f: {  	[sflag:s14] =	ssyncadd.s32 $0xFFFFE000  }
0x20: {  	v3 =	vld [tilespmem:$0x0];
	_ =	sdelay $0x4  }
0x21: {  	v4 =	vshrl.u32 v3, $0x3  }
0x22: {  	v4 =	vmul.u32 $0x18, v4  }
0x23: {  	v3 =	vand.u32 $0x7, v3  }
0x24: {  	v3 =	vor.u32 v3, v4  }
0x25: {  	v4 =	vperm.xlane v3, v0;
	_ =	sdelay $0x1  }
0x26: {  	v4 =	vadd.s32 v1, v4;
	_ =	sdelay $0x1  }
0x27: {  	v3 =	vperm.xlane v3, v2;
	_ =	sdelay $0x1  }
0x28: {  	v3 =	vadd.s32 v1, v3  }
0x29: {  	[hbm4b:s4+s3] =	stream.indirect_vreg.scatter [tilespmem:s10], [sflag:$0x1], $0x80, v4, vm0, $0xb8;
	[tilespmem:$0x8080] =	vst v63  }
0x2a: {  	_ = 	snop  }
0x2b: {  	[hbm4b:s8+s3] =	stream.indirect_vreg.scatter [tilespmem:s15], [sflag:$0x1], $0x80, v4, vm1, $0xb8;
	[tilespmem:$0x8080] =	vst v63  }
0x2c: {  	_ = 	snop  }
0x2d: {  	[hbm4b:s4+s3] =	stream.indirect_vreg.scatter [tilespmem:s16], [sflag:$0x1], $0x80, v3, vm0, $0xb8;
	[tilespmem:$0x8080] =	vst v63  }
0x2e: {  	_ = 	snop  }
0x2f: {  	[hbm4b:s8+s3] =	stream.indirect_vreg.scatter [tilespmem:s17], [sflag:$0x1], $0x80, v3, vm1, $0xb8;
	[tilespmem:$0x8080] =	vst v63  }
0x30: {  	v3 =	vld [tilespmem:$0x10];
	_ =	sdelay $0x4  }
0x31: {  	v61 =	vshrl.u32 v3, $0x3  }
0x32: {  	v4 =	vmul.u32 $0x18, v61  }
0x33: {  	v3 =	vand.u32 $0x7, v3  }
0x34: {  	v3 =	vor.u32 v3, v4  }
0x35: {  	v4 =	vperm.xlane v3, v0;
	_ =	sdelay $0x1  }
0x36: {  	v4 =	vadd.s32 v1, v4;
	_ =	sdelay $0x1  }
0x37: {  	v3 =	vperm.xlane v3, v2;
	_ =	sdelay $0x1  }
0x38: {  	v3 =	vadd.s32 v1, v3  }
0x39: {  	[hbm4b:s4+s3] =	stream.indirect_vreg.scatter [tilespmem:s18], [sflag:$0x1], $0x80, v4, vm0, $0xb8;
	[tilespmem:$0x8080] =	vst v63  }
0x3a: {  	_ = 	snop  }
0x3b: {  	[hbm4b:s8+s3] =	stream.indirect_vreg.scatter [tilespmem:s19], [sflag:$0x1], $0x80, v4, vm1, $0xb8;
	[tilespmem:$0x8080] =	vst v63  }
0x3c: {  	_ = 	snop  }
0x3d: {  	[hbm4b:s4+s3] =	stream.indirect_vreg.scatter [tilespmem:s20], [sflag:$0x1], $0x80, v3, vm0, $0xb8;
	[tilespmem:$0x8080] =	vst v63  }
0x3e: {  	_ = 	snop  }
0x3f: {  	[hbm4b:s8+s3] =	stream.indirect_vreg.scatter [tilespmem:s21], [sflag:$0x1], $0x80, v3, vm1, $0xb8;
	[tilespmem:$0x8080] =	vst v63  }
0x40: {  	v3 =	vld [tilespmem:$0x20];
	_ =	sdelay $0x4  }
0x41: {  	v62 =	vshrl.u32 v3, $0x3  }
0x42: {  	v4 =	vmul.u32 $0x18, v62  }
0x43: {  	v3 =	vand.u32 $0x7, v3  }
0x44: {  	v3 =	vor.u32 v3, v4  }
0x45: {  	v4 =	vperm.xlane v3, v0;
	_ =	sdelay $0x1  }
0x46: {  	v4 =	vadd.s32 v1, v4;
	_ =	sdelay $0x1  }
0x47: {  	v3 =	vperm.xlane v3, v2;
	_ =	sdelay $0x1  }
0x48: {  	v3 =	vadd.s32 v1, v3  }
0x49: {  	[hbm4b:s4+s3] =	stream.indirect_vreg.scatter [tilespmem:s22], [sflag:$0x1], $0x80, v4, vm0, $0xb8;
	[tilespmem:$0x8080] =	vst v63  }
0x4a: {  	_ = 	snop  }
0x4b: {  	[hbm4b:s8+s3] =	stream.indirect_vreg.scatter [tilespmem:s23], [sflag:$0x1], $0x80, v4, vm1, $0xb8;
	[tilespmem:$0x8080] =	vst v63  }
0x4c: {  	_ = 	snop  }
0x4d: {  	[hbm4b:s4+s3] =	stream.indirect_vreg.scatter [tilespmem:s24], [sflag:$0x1], $0x80, v3, vm0, $0xb8;
	[tilespmem:$0x8080] =	vst v63  }
0x4e: {  	_ = 	snop  }
0x4f: {  	[hbm4b:s8+s3] =	stream.indirect_vreg.scatter [tilespmem:s25], [sflag:$0x1], $0x80, v3, vm1, $0xb8;
	[tilespmem:$0x8080] =	vst v63  }
0x50: {  	v3 =	vld [tilespmem:$0x30];
	_ =	sdelay $0x4  }
0x51: {  	v63 =	vshrl.u32 v3, $0x3  }
0x52: {  	v4 =	vmul.u32 $0x18, v63  }
0x53: {  	v3 =	vand.u32 $0x7, v3  }
0x54: {  	v3 =	vor.u32 v3, v4  }
0x55: {  	v4 =	vperm.xlane v3, v0;
	_ =	sdelay $0x1  }
0x56: {  	v4 =	vadd.s32 v1, v4;
	_ =	sdelay $0x1  }
0x57: {  	v3 =	vperm.xlane v3, v2;
	_ =	sdelay $0x1  }
0x58: {  	v3 =	vadd.s32 v1, v3  }
0x59: {  	[hbm4b:s4+s3] =	stream.indirect_vreg.scatter [tilespmem:s26], [sflag:$0x1], $0x80, v4, vm0, $0xb8;
	[tilespmem:$0x8080] =	vst v63  }
0x5a: {  	_ = 	snop  }
0x5b: {  	[hbm4b:s8+s3] =	stream.indirect_vreg.scatter [tilespmem:s28], [sflag:$0x1], $0x80, v4, vm1, $0xb8;
	[tilespmem:$0x8080] =	vst v63  }
0x5c: {  	_ = 	snop  }
0x5d: {  	[hbm4b:s4+s3] =	stream.indirect_vreg.scatter [tilespmem:s29], [sflag:$0x1], $0x80, v3, vm0, $0xb8;
	[tilespmem:$0x8080] =	vst v63  }
0x5e: {  	_ = 	snop  }
0x5f: {  	[hbm4b:s8+s3] =	stream.indirect_vreg.scatter [tilespmem:s30], [sflag:$0x1], $0x80, v3, vm1, $0xb8;
	[tilespmem:$0x8080] =	vst v63  }
0x60: {  	_ = 	snop  }
0x61: {  	[hbm4b:s2+s31] =	stream.indirect.scatter [tilespmem:s11], [sflag:$0x2], $0x80, s3, s31, $0xb8;
	[tilespmem:$0x8080] =	vst v63  }
0x62: {  	p0 =	sne.s32 s9, $0x1;
	_ =	swait.ge [sflag:s12], $0x6000  }
.Ltmp0:
0x63: {  	[sflag:s12] =	ssyncset.done $0x0;
	(pc) =	sbr.rel @p0 .LBB2_1-.Ltmp0, $4  }
0x64: {  	[sflag:s12] =	ssyncadd.s32 $0xFFFFA000  }
0x65: {  	_ =	swait.ge [sflag:s13], $0x2000  }
0x66: {  	[sflag:s13] =	ssyncset.done $0x0  }
0x67: {  	s9 =	sadd.s32 $0xFFFFFFFF, s9;
	[sflag:s13] =	ssyncadd.s32 $0xFFFFE000  }
0x68: {  	_ =	sfence.sel $0x180000  }
0x69: {  	[bflag:$0x0] =	sbarrier.arrive $0xFFFF  }
0x6a: {  	p0 =	sne.s32 s0, $0x0;
	_ =	strace $0x90000047  }
0x6b: {  	s0 =	sadd.s32 @!p0 $0x100000, s1;
	[bflag:$0x2] =	sbarrier.arrive $0xFFFF  }
0x6c: {  	[sflag:s0] =	ssyncadd.tile.s32 @!p0 $0x1;
	_ =	shalt  }
.Lfunc_end2:
_tile_overlayer_lowered:
.L_overlay_start_2:
0x6d: {  	(tag) =	ssettag $0x2  }
0x6e: {  	s0 =	rddreg [dreg:$0x0];
	s2 =	stileid.u32  }
0x6f: {  	s1 =	rddreg [dreg:$0x1];
	p0 =	sne.s32 s2, $0x0  }
0x70: {  	s3 =	rddreg [dreg:$0x2];
	[bflag:$0x3] =	sbarrier.arrive $0xFFFF;
	s2 =	simm.s32 @!p0 $0x1C04  }
0x71: {  	[timem:s3], [sflag:s2] =	dma.local @!p0 [hbm:s0], s1  }
0x72: {  	s0 =	simm.s32 @!p0 $0x4  }
0x73: {  	_ =	swait.ge @!p0 [sflag:s0], s1  }
0x74: {  	s1 =	ssub.s32 @!p0 $0x0, s1;
	[sflag:s0] =	ssyncset.done @!p0 $0x0  }
0x75: {  	[sflag:s0] =	ssyncadd.s32 @!p0 s1  }
0x76: {  	[bflag:$0x3] =	sbarrier.arrive $0xFFFF  }
0x77: {  	_ =	shalt  }

// kernel: kernel.9.cloned.1.call-start
scs
__scs_entry_jumppad:
0x0: {  	(pc) =	sbr.rel $0x88, $3  }
0x1: {  	(tag) =	ssettag $0x0;
	lr =	simm.s32 $0x1  }
0x2: {  	[smem:$0x3F9B] =	sst lr;
	_ =	strace $0xD0000000  }
0x3: {  	_ = 	snop  }
0x4: {  	_ = 	snop  }
0x5: {  	_ = 	snop  }
0x6: {  	_ = 	snop  }
0x7: {  	_ = 	snop  }
__scs_overlays_trampoline_lowered:
0x8: {  	[smem:$0x3FAA] =	sst s0  }
0x9: {  	[smem:$0x3FAB] =	sst s1  }
0xa: {  	[smem:$0x3FAC] =	sst s2  }
0xb: {  	[smem:$0x3FAD] =	sst s3  }
0xc: {  	[smem:$0x3FAE] =	sst s4  }
0xd: {  	[smem:$0x3FAF] =	sst s5  }
0xe: {  	[smem:$0x3FB0] =	sst s6  }
0xf: {  	[smem:$0x3FB1] =	sst s7  }
0x10: {  	[smem:$0x3FB2] =	sst s8  }
0x11: {  	[smem:$0x3FB3] =	sst s9;
	s0 =	simm.s32 @!p0 $0x0  }
0x12: {  	s1 =	sld [smem:$0x3F99];
	s0 =	simm.s32 @p0 $0x1  }
0x13: {  	[smem:$0x3FB4] =	sst s0;
	s0 =	simm.s32 @!p1 $0x0  }
0x14: {  	s2 =	sld [smem:$0x3F98];
	s0 =	simm.s32 @p1 $0x1  }
0x15: {  	[smem:$0x3FB5] =	sst s0;
	s0 =	simm.s32 @!p2 $0x0  }
0x16: {  	s3 =	sld [smem:$0x3FDB];
	s0 =	simm.s32 @p2 $0x1  }
0x17: {  	s4 =	simm.s32 $0x1BF5;
	[smem:$0x3FB7] =	sst s0  }
0x18: {  	s0 =	sld [smem:$0x3F9A];
	_ =	swait.ge [sflag:s4], $0x0  }
0x19: {  	s7 =	sld [smem:$0x3F9B]  }
0x1a: {  	s8 =	sadd.s32 $0xFFFFE003, lr  }
0x1b: {  	s9 =	sadd.s32 $0xFFFFFEF7, lr;
	s5 =	simm.s32 $0xFFFFFFFF;
	p2 =	slt.u32 s8, $0xFFFFF086  }
0x1c: {  	p1 =	slt.u32 s9, $0xF7A;
	s5 =	simm.s32 @!p2 $0x0  }
0x1d: {  	s5 =	simm.s32 @p1 $0x1;
	p0 =	seq.s32 s7, s2  }
0x1e: {  	s7 =	smul.u32 @!p0 $0xF7A, s2;
	p2 =	seq.s32 @!p0 s5, $0x0  }
0x1f: {  	s9 =	smul.u32 $0xF7A, s1;
	s8 =	simm.s32 @!p0 $0x1BF5;
	p2 =	por !p2, p0  }
0x20: {  	[sflag:s8] =	ssyncset.s32 @!p0 $0xFFFFF086;
	s6 =	sadd.s32 @!p0 s3, s7;
	s7 =	simm.s32 @!p0 $0x108  }
0x21: {  	s3 =	sadd.s32 s3, s9;
	s6 =	sadd.s32 @!p0 $0x88, s6;
	s7 =	simm.s32 @p2 $0x1082  }
0x22: {  	[simem:s7], [sflag:s8] =	dma.local @!p0 [hbm:s6], $0xF7A  }
0x23: {  	s9 =	sor.u32 $0xD0000000, s2;
	s6 =	simm.s32 $0x108;
	_ =	swait.ge @!p0 [sflag:s8], $0x0  }
0x24: {  	s3 =	sadd.s32 $0x88, s3;
	s6 =	simm.s32 @!p1 $0x1082;
	[sflag:s4] =	ssyncset.s32 $0xFFFFF086  }
0x25: {  	[simem:s6], [sflag:s4] =	dma.local [hbm:s3], $0xF7A  }
0x26: {  	[smem:$0x3F9B] =	sst s1;
	(tag) =	ssettag s2;
	_ =	strace s9  }
0x27: {  	s1 =	sld [smem:$0x3FAB]  }
0x28: {  	s2 =	sld [smem:$0x3FAC]  }
0x29: {  	s4 =	sld [smem:$0x3FAE]  }
0x2a: {  	p0 =	seq.s32 s5, $0x0;
	s5 =	sld [smem:$0x3FAF]  }
0x2b: {  	s6 =	sld [smem:$0x3FB0]  }
0x2c: {  	s7 =	sld [smem:$0x3FB1]  }
0x2d: {  	s3 =	simm.s32 $0x108;
	s8 =	sld [smem:$0x3FB2]  }
0x2e: {  	s3 =	simm.s32 @!p0 $0x1082;
	s9 =	sld [smem:$0x3FB3]  }
0x2f: {  	lr =	sadd.s32 s0, s3;
	s0 =	sld [smem:$0x3FAA]  }
0x30: {  	s3 =	sld [smem:$0x3FAD]  }
0x31: {  	[smem:$0x3FB6] =	sst s10  }
0x32: {  	s10 =	sld [smem:$0x3FB4];
	_ =	sdelay $0x3  }
0x33: {  	p0 =	seq.s32 s10, $0x1;
	s10 =	sld [smem:$0x3FB6];
	_ =	sdelay $0x3  }
0x34: {  	[smem:$0x3FB6] =	sst s10  }
0x35: {  	s10 =	sld [smem:$0x3FB5];
	_ =	sdelay $0x3  }
0x36: {  	p1 =	seq.s32 s10, $0x1;
	s10 =	sld [smem:$0x3FB6];
	_ =	sdelay $0x3  }
0x37: {  	[smem:$0x3FB6] =	sst s10  }
0x38: {  	s10 =	sld [smem:$0x3FB7]  }
0x39: {  	_ = 	snop;
	(pc) =	sbr.ind lr, $3  }
0x3a: {  	_ = 	snop  }
0x3b: {  	_ = 	snop  }
0x3c: {  	p2 =	seq.s32 s10, $0x1;
	s10 =	sld [smem:$0x3FB6]  }
0x3d: {  	_ =	shalt  }
0x3e: {  	_ =	shalt  }
0x3f: {  	_ =	shalt  }
0x40: {  	_ =	shalt  }
0x41: {  	_ =	shalt  }
0x42: {  	_ =	shalt  }
0x43: {  	_ =	shalt  }
0x44: {  	_ =	shalt  }
0x45: {  	_ =	shalt  }
0x46: {  	_ =	shalt  }
0x47: {  	_ =	shalt  }
0x48: {  	_ =	shalt  }
0x49: {  	_ =	shalt  }
0x4a: {  	_ =	shalt  }
0x4b: {  	_ =	shalt  }
0x4c: {  	_ =	shalt  }
0x4d: {  	_ =	shalt  }
0x4e: {  	_ =	shalt  }
0x4f: {  	_ =	shalt  }
0x50: {  	_ =	shalt  }
0x51: {  	_ =	shalt  }
0x52: {  	_ =	shalt  }
0x53: {  	_ =	shalt  }
0x54: {  	_ =	shalt  }
0x55: {  	_ =	shalt  }
0x56: {  	_ =	shalt  }
0x57: {  	_ =	shalt  }
0x58: {  	_ =	shalt  }
0x59: {  	_ =	shalt  }
0x5a: {  	_ =	shalt  }
0x5b: {  	_ =	shalt  }
0x5c: {  	_ =	shalt  }
0x5d: {  	_ =	shalt  }
0x5e: {  	_ =	shalt  }
0x5f: {  	_ =	shalt  }
0x60: {  	_ =	shalt  }
0x61: {  	_ =	shalt  }
0x62: {  	_ =	shalt  }
0x63: {  	_ =	shalt  }
0x64: {  	_ =	shalt  }
0x65: {  	_ =	shalt  }
0x66: {  	_ =	shalt  }
0x67: {  	_ =	shalt  }
0x68: {  	_ =	shalt  }
0x69: {  	_ =	shalt  }
0x6a: {  	_ =	shalt  }
0x6b: {  	_ =	shalt  }
0x6c: {  	_ =	shalt  }
0x6d: {  	_ =	shalt  }
0x6e: {  	_ =	shalt  }
0x6f: {  	_ =	shalt  }
0x70: {  	_ =	shalt  }
0x71: {  	_ =	shalt  }
0x72: {  	_ =	shalt  }
0x73: {  	_ =	shalt  }
0x74: {  	_ =	shalt  }
0x75: {  	_ =	shalt  }
0x76: {  	_ =	shalt  }
0x77: {  	_ =	shalt  }
0x78: {  	_ =	shalt  }
0x79: {  	_ =	shalt  }
0x7a: {  	_ =	shalt  }
0x7b: {  	_ =	shalt  }
0x7c: {  	_ =	shalt  }
0x7d: {  	_ =	shalt  }
0x7e: {  	_ =	shalt  }
0x7f: {  	_ =	shalt  }
0x80: {  	_ =	shalt  }
0x81: {  	_ =	shalt  }
0x82: {  	_ =	shalt  }
0x83: {  	_ =	shalt  }
0x84: {  	_ =	shalt  }
0x85: {  	_ =	shalt  }
0x86: {  	_ =	shalt  }
0x87: {  	_ =	shalt  }
.Lfunc_end0:
.L_simem_size_0:
called_computation.1_lowered:
.L_overlay_start_0:
0x88: {  	s2 =	sld [smem:$0x3FD9]  }
0x89: {  	s3 =	sld [smem:$0x3FFE];
	_ =	sdelay $0x1  }
0x8a: {  	s1 =	srdreg.scid  }
0x8b: {  	s0 =	sand.u32 $0x1, s1  }
0x8c: {  	s14 =	sshll.u32 s0, $0xA;
	s2 =	sadd.s32 s3, s2  }
0x8d: {  	s2 =	sadd.s32 s2, s14  }
0x8e: {  	[smem:$0x3FC2] =	sst s2  }
0x8f: {  	_ = 	snop  }
0x90: {  	s2 =	sld [smem:$0x3FD0];
	_ =	sdelay $0x2  }
0x91: {  	s15 =	simm.s32 $0xA;
	s4 =	simm.s32 $0x10  }
0x92: {  	[smem:s4], [sflag:s15] =	dma.local [hbm:s2], $0x1  }
0x93: {  	_ =	swait.eq [sflag:s15], $0x1  }
0x94: {  	[sflag:s15] =	ssyncset.done $0x0  }
0x95: {  	s16 =	sld [smem:$0x10];
	[sflag:s15] =	ssyncadd.s32 $0xFFFFFFFF  }
0x96: {  	s17 =	sld [smem:$0x11];
	(tm) =	ssettm $0x1  }
0x97: {  	s18 =	sld [smem:$0x3FFB];
	_ =	sdelay $0x3  }
0x98: {  	_ =	strace s18  }
0x99: {  	s4 =	sld [smem:$0x3FFC];
	_ =	sdelay $0x3  }
0x9a: {  	_ =	strace s4  }
0x9b: {  	s4 =	sld [smem:$0x3FFD];
	_ =	sdelay $0x3  }
0x9c: {  	_ =	strace s4  }
0x9d: {  	_ =	strace $0x8FFFFFFF  }
0x9e: {  	s19 =	sld [smem:$0x3FDB];
	_ =	sdelay $0x1  }
0x9f: {  	s5 =	simm.s32 $_scs_section_size  }
0xa0: {  	s6 =	simm.s32 $_size__tile_overlayer_lowered;
	s7 =	simm.s32 $_tile_overlayer_lowered  }
0xa1: {  	s22 =	simm.s32 $0x1BFF;
	s21 =	sshll.u32 s7, $0x1;
	s4 =	sadd.s32 s5, s19  }
0xa2: {  	s8 =	simm.s32 $0x0;
	s20 =	sshll.u32 s6, $0x1;
	s6 =	sadd.s32 s21, s4  }
0xa3: {  	[timem:s8], [sflag:s22] =	dma.local [hbm:s6], s20  }
0xa4: {  	_ =	swait.ge [sflag:s22], s20  }
0xa5: {  	s5 =	ssub.s32 $0x0, s20;
	[sflag:s22] =	ssyncset.done $0x0  }
0xa6: {  	[sflag:s22] =	ssyncadd.s32 s5;
	_ =	sdelay $0x1  }
0xa7: {  	s23 =	simm.s32 $0x1B8B  }
0xa8: {  	_ =	swait.ge [sflag:s23], $0x1  }
0xa9: {  	[sflag:s23] =	ssyncset.done $0x0  }
0xaa: {  	s25 =	simm.s32 $0x1B8E;
	s24 =	sld [smem:$0x3FFE];
	[sflag:s23] =	ssyncadd.s32 $0xFFFFFFFF  }
0xab: {  	s26 =	simm.s32 $execute0_lowered;
	[smem:$0x3FD2] =	sst s25  }
0xac: {  	s6 =	sshll.u32 s26, $0x1;
	_ =	strace $0x80000049;
	[dreg:$0x1] =	wrdreg $0xFFFFFFFF  }
0xad: {  	s28 =	simm.s32 $_size_execute0_lowered;
	s4 =	sadd.s32 s4, s6;
	[dreg:$0x0] =	wrdreg $0x0  }
0xae: {  	s6 =	sshll.u32 s28, $0x1;
	[dreg:$0x2] =	wrdreg s4  }
0xaf: {  	[dreg:$0x3] =	wrdreg s6  }
0xb0: {  	[dreg:$0x4] =	wrdreg $0xC0  }
0xb1: {  	_ =	task [dreg:s8], $0x5FFFF  }
0xb2: {  	[dreg:$0x1] =	wrdreg $0xFFFFFFFF  }
0xb3: {  	[dreg:$0x0] =	wrdreg $0x60  }
0xb4: {  	[dreg:$0x2] =	wrdreg s24  }
0xb5: {  	[dreg:$0x3] =	wrdreg s16  }
0xb6: {  	[dreg:$0x4] =	wrdreg s17  }
0xb7: {  	[dreg:$0x5] =	wrdreg $0x9  }
0xb8: {  	_ =	task.clear_ibuf [dreg:s8], $0x6FFFF;
	_ =	strace $0x90000049  }
0xb9: {  	s29 =	simm.s32 $0x9;
	_ =	strace $0x8000004B  }
0xba: {  	_ =	swait.ge [sflag:s29], $0x1  }
0xbb: {  	[sflag:s29] =	ssyncadd.s32 $0xFFFFFFFF  }
0xbc: {  	_ =	strace $0x9000004B  }
0xbd: {  	_ =	sfence  }
0xbe: {  	s30 =	sld [smem:$0x0];
	_ =	sdelay $0x2  }
0xbf: {  	s31 =	sshll.u32 s1, $0xD;
	s1 =	sshrl.u32 s1, $0x2  }
0xc0: {  	s3 =	sand.u32 $0x4000, s31;
	s1 =	sadd.s32 s1, s30  }
0xc1: {  	s0 =	sor.u32 s3, s0;
	s1 =	sshll.u32 s1, $0x11  }
0xc2: {  	s0 =	sor.u32 s1, s0  }
0xc3: {  	s0 =	sadd.s32 $0x8F2B, s0  }
0xc4: {  	[sflag:s0] =	ssyncadd.remote.s32 $0x1  }
0xc5: {  	_ =	sfence.sel $0xFFFF  }
0xc6: {  	[dreg:$0x0] =	wrdreg $0xFFFFFFFF;
	(pc) =	sbr.abs _section_cstart, $3  }
0xc7: {  	[dreg:$0x1] =	wrdreg $0xFFFFFFFF  }
0xc8: {  	_ =	task.clear_ibuf [dreg:s8], $0x2FFFF;
	_ =	strace $0x9FFFFFFF  }
0xc9: {  	(tm) =	ssettm $0x7FFFFFFF  }
tec
execute0_lowered:
.L_overlay_start_1:
0x0: {  	(tag) =	ssettag $0x1  }
0x1: {  	s1 =	rddreg [dreg:$0x0]  }
0x2: {  	s2 =	srdreg.scid;
	s3 =	rddreg [dreg:$0x1]  }
0x3: {  	s4 =	rddreg [dreg:$0x2];
	s5 =	sand.u32 $0x1, s2;
	s2 =	simm.s32 $0x0  }
0x4: {  	s22 =	simm.s32 $0x880;
	[smem:$0x7FF] =	sst s2  }
0x5: {  	s23 =	simm.s32 $0x1080;
	_ =	strace $0x8000004A;
	[dreg:$0x7] =	wrdreg s22  }
0x6: {  	s24 =	simm.s32 $0x1880;
	[dreg:$0x8] =	wrdreg s23  }
0x7: {  	s25 =	simm.s32 $0x2080;
	[dreg:$0x9] =	wrdreg s24  }
0x8: {  	s0 =	stileid.u32;
	s26 =	simm.s32 $0x2880;
	[dreg:$0xa] =	wrdreg s25  }
0x9: {  	s6 =	sshll.u32 s0, $0x4;
	s0 =	simm.s32 $0x3080;
	[dreg:$0xb] =	wrdreg s26  }
0xa: {  	s8 =	simm.s32 $0x5080;
	[dreg:$0xc] =	wrdreg s0  }
0xb: {  	s9 =	simm.s32 $0x5880;
	[dreg:$0x10] =	wrdreg s8  }
0xc: {  	s10 =	simm.s32 $0x6080;
	[dreg:$0x11] =	wrdreg s9  }
0xd: {  	s11 =	simm.s32 $0x6880;
	[dreg:$0x12] =	wrdreg s10  }
0xe: {  	s12 =	simm.s32 $0x7080;
	[dreg:$0x13] =	wrdreg s11  }
0xf: {  	s13 =	simm.s32 $0x7880;
	s14 =	simm.s32 $0x8080;
	[dreg:$0x14] =	wrdreg s12  }
0x10: {  	s15 =	simm.s32 $0x8880;
	s16 =	simm.s32 $0x9080;
	[dreg:$0x15] =	wrdreg s13  }
0x11: {  	s17 =	simm.s32 $0x9880;
	s18 =	simm.s32 $0xA080;
	[dreg:$0x16] =	wrdreg s14  }
0x12: {  	s20 =	simm.s32 $0xA880;
	s28 =	simm.s32 $0x16880;
	[dreg:$0x17] =	wrdreg s15  }
0x13: {  	s29 =	simm.s32 $0x17080;
	s30 =	simm.s32 $0x17880;
	[dreg:$0x18] =	wrdreg s16  }
0x14: {  	s31 =	simm.s32 $0x1;
	s7 =	sshll.u32 s5, $0x3;
	[dreg:$0x19] =	wrdreg s17  }
0x15: {  	s5 =	ssub.s32 $0x2, s5;
	s6 =	sor.u32 s7, s6;
	[dreg:$0x1a] =	wrdreg s18  }
0x16: {  	s19 =	sshrl.u32 s5, $0x1;
	[dreg:$0x1b] =	wrdreg s20;
	s22 =	simm.s32 $0xB880  }
0x17: {  	s8 =	simm.s32 $0xC880;
	s10 =	simm.s32 $0xD080;
	s23 =	simm.s32 $0xD880  }
0x18: {  	s24 =	simm.s32 $0xE080;
	s25 =	simm.s32 $0xE880;
	s11 =	simm.s32 $0x80  }
0x19: {  	s26 =	simm.s32 $0xF080;
	s12 =	simm.s32 $0xC080;
	[dreg:$0x1d] =	wrdreg s22  }
0x1a: {  	s14 =	simm.s32 $0x10080;
	s15 =	simm.s32 $0x10880;
	[dreg:$0x1e] =	wrdreg s8  }
0x1b: {  	s16 =	simm.s32 $0x11080;
	s17 =	simm.s32 $0x11880;
	[dreg:$0x1f] =	wrdreg s10  }
0x1c: {  	s18 =	simm.s32 $0x12080;
	s20 =	simm.s32 $0x13080;
	[smem:$0x7FA] =	sst s23  }
0x1d: {  	s7 =	sadd.s32 s6, s1;
	s6 =	smul.u32 $0x300, s6;
	[smem:$0x7FB] =	sst s24  }
0x1e: {  	s9 =	ssub.s32 s5, s19;
	s5 =	sadd.s32 $0x75900, s1;
	[smem:$0x7FC] =	sst s25  }
0x1f: {  	s8 =	sadd.s32 $0x9A00, s1;
	s10 =	simm.s32 $0x3;
	[smem:$0x7FD] =	sst s26  }
0x20: {  	s19 =	simm.s32 $0x12880;
	s22 =	simm.s32 $0x14080;
	s7 =	sadd.s32 $0x9600, s7  }
0x21: {  	s23 =	simm.s32 $0x14880;
	[dreg:$0x4] =	wrdreg s7;
	s3 =	sadd.s32 s3, s6  }
0x22: {  	s24 =	simm.s32 $0x15080;
	s21 =	sadd.s32 s4, s6;
	[dreg:$0x5] =	wrdreg s3  }
0x23: {  	s25 =	simm.s32 $0x15880;
	s4 =	simm.s32 $0x3880;
	[dreg:$0x6] =	wrdreg s21  }
0x24: {  	s26 =	simm.s32 $0x16080;
	s6 =	simm.s32 $0x4080;
	[dreg:$0xd] =	wrdreg s4  }
0x25: {  	s9 =	smax.u32 s9, $0x1;
	s7 =	simm.s32 $0x4880;
	[dreg:$0xe] =	wrdreg s6  }
0x26: {  	v2 =	vlaneseq.u32;
	[dreg:$0xf] =	wrdreg s7;
	s3 =	sadd.s32 $0x75800, s1;
	s4 =	sadd.s32 $0x9800, s1  }
0x27: {  	vm0 =	vmmov $0xffff;
	v1 =	vshrl.u32 v2, $0x3;
	s21 =	simm.s32 $0xB080;
	s6 =	sadd.s32 $0x75A00, s1;
	s7 =	sadd.s32 $0x9900, s1  }
0x28: {  	v0 =	vand.u32 $0x7, v2;
	v2 =	vor.u32 $0x8, v2;
	v1 =	vmul.u32 $0x8, v1;
	s1 =	simm.s32 $0x2;
	[dreg:$0x1c] =	wrdreg s21;
	s21 =	simm.s32 $0x13880  }
.LBB2_1:
0x29: {  	s0 =	rddreg [dreg:$0x4]  }
0x2a: {  	[tilespmem:s2], [sflag:$0x3] =	stream.linear.gather [hbm4b:s0+s2], $0x40, $0x38;
	[tilespmem:$0x18080] =	vst v63  }
0x2b: {  	_ =	swait.ge [sflag:s10], $0x40  }
0x2c: {  	[sflag:s10] =	ssyncset.done $0x0  }
0x2d: {  	[sflag:s10] =	ssyncadd.s32 $0xFFFFFFC0  }
0x2e: {  	v3 =	vld [tilespmem:$0x0];
	_ =	sdelay $0x4  }
0x2f: {  	v4 =	vshrl.u32 v3, $0x3  }
0x30: {  	v4 =	vmul.u32 $0x30, v4  }
0x31: {  	v3 =	vand.u32 $0x7, v3  }
0x32: {  	v3 =	vor.u32 v3, v4  }
0x33: {  	v4 =	vperm.xlane v3, v0;
	_ =	sdelay $0x1  }
0x34: {  	v4 =	vadd.s32 v1, v4;
	_ =	sdelay $0x3  }
0x35: {  	v3 =	vperm.xlane v3, v2  }
0x36: {  	[tilespmem:s11], [sflag:$0x1] =	stream.indirect_vreg.gather [hbm4b:s3+s2], $0x80, v4, vm0, $0xb8;
	[tilespmem:$0x18080] =	vst v63  }
0x37: {  	s0 =	rddreg [dreg:$0x7];
	v3 =	vadd.s32 v1, v3  }
0x38: {  	[tilespmem:s0], [sflag:$0x1] =	stream.indirect_vreg.gather [hbm4b:s5+s2], $0x80, v4, vm0, $0xb8;
	[tilespmem:$0x18080] =	vst v63  }
0x39: {  	s13 =	rddreg [dreg:$0x8]  }
0x3a: {  	[tilespmem:s13], [sflag:$0x1] =	stream.indirect_vreg.gather [hbm4b:s6+s2], $0x80, v4, vm0, $0xb8;
	[tilespmem:$0x18080] =	vst v63  }
0x3b: {  	s0 =	rddreg [dreg:$0x9]  }
0x3c: {  	[tilespmem:s0], [sflag:$0x1] =	stream.indirect_vreg.gather [hbm4b:s3+s2], $0x80, v3, vm0, $0xb8;
	[tilespmem:$0x18080] =	vst v63  }
0x3d: {  	s13 =	rddreg [dreg:$0xa]  }
0x3e: {  	[tilespmem:s13], [sflag:$0x1] =	stream.indirect_vreg.gather [hbm4b:s5+s2], $0x80, v3, vm0, $0xb8;
	[tilespmem:$0x18080] =	vst v63  }
0x3f: {  	s0 =	rddreg [dreg:$0xb]  }
0x40: {  	[tilespmem:s0], [sflag:$0x1] =	stream.indirect_vreg.gather [hbm4b:s6+s2], $0x80, v3, vm0, $0xb8;
	[tilespmem:$0x18080] =	vst v63  }
0x41: {  	v3 =	vld [tilespmem:$0x10];
	_ =	sdelay $0x4  }
0x42: {  	v57 =	vshrl.u32 v3, $0x3  }
0x43: {  	v4 =	vmul.u32 $0x30, v57  }
0x44: {  	v3 =	vand.u32 $0x7, v3  }
0x45: {  	v3 =	vor.u32 v3, v4  }
0x46: {  	v4 =	vperm.xlane v3, v0;
	_ =	sdelay $0x1  }
0x47: {  	v4 =	vadd.s32 v1, v4;
	_ =	sdelay $0x3  }
0x48: {  	s0 =	rddreg [dreg:$0xc];
	v3 =	vperm.xlane v3, v2  }
0x49: {  	[tilespmem:s0], [sflag:$0x1] =	stream.indirect_vreg.gather [hbm4b:s3+s2], $0x80, v4, vm0, $0xb8;
	[tilespmem:$0x18080] =	vst v63  }
0x4a: {  	s13 =	rddreg [dreg:$0xd];
	v3 =	vadd.s32 v1, v3  }
0x4b: {  	[tilespmem:s13], [sflag:$0x1] =	stream.indirect_vreg.gather [hbm4b:s5+s2], $0x80, v4, vm0, $0xb8;
	[tilespmem:$0x18080] =	vst v63  }
0x4c: {  	s0 =	rddreg [dreg:$0xe]  }
0x4d: {  	[tilespmem:s0], [sflag:$0x1] =	stream.indirect_vreg.gather [hbm4b:s6+s2], $0x80, v4, vm0, $0xb8;
	[tilespmem:$0x18080] =	vst v63  }
0x4e: {  	s13 =	rddreg [dreg:$0xf]  }
0x4f: {  	[tilespmem:s13], [sflag:$0x1] =	stream.indirect_vreg.gather [hbm4b:s3+s2], $0x80, v3, vm0, $0xb8;
	[tilespmem:$0x18080] =	vst v63  }
0x50: {  	s0 =	rddreg [dreg:$0x10]  }
0x51: {  	[tilespmem:s0], [sflag:$0x1] =	stream.indirect_vreg.gather [hbm4b:s5+s2], $0x80, v3, vm0, $0xb8;
	[tilespmem:$0x18080] =	vst v63  }
0x52: {  	s13 =	rddreg [dreg:$0x11]  }
0x53: {  	[tilespmem:s13], [sflag:$0x1] =	stream.indirect_vreg.gather [hbm4b:s6+s2], $0x80, v3, vm0, $0xb8;
	[tilespmem:$0x18080] =	vst v63  }
0x54: {  	v3 =	vld [tilespmem:$0x20];
	_ =	sdelay $0x4  }
0x55: {  	v58 =	vshrl.u32 v3, $0x3  }
0x56: {  	v4 =	vmul.u32 $0x30, v58  }
0x57: {  	v3 =	vand.u32 $0x7, v3  }
0x58: {  	v3 =	vor.u32 v3, v4  }
0x59: {  	v4 =	vperm.xlane v3, v0;
	_ =	sdelay $0x1  }
0x5a: {  	v4 =	vadd.s32 v1, v4;
	_ =	sdelay $0x3  }
0x5b: {  	s0 =	rddreg [dreg:$0x12];
	v3 =	vperm.xlane v3, v2  }
0x5c: {  	[tilespmem:s0], [sflag:$0x1] =	stream.indirect_vreg.gather [hbm4b:s3+s2], $0x80, v4, vm0, $0xb8;
	[tilespmem:$0x18080] =	vst v63  }
0x5d: {  	s13 =	rddreg [dreg:$0x13];
	v3 =	vadd.s32 v1, v3  }
0x5e: {  	[tilespmem:s13], [sflag:$0x1] =	stream.indirect_vreg.gather [hbm4b:s5+s2], $0x80, v4, vm0, $0xb8;
	[tilespmem:$0x18080] =	vst v63  }
0x5f: {  	s0 =	rddreg [dreg:$0x14]  }
0x60: {  	[tilespmem:s0], [sflag:$0x1] =	stream.indirect_vreg.gather [hbm4b:s6+s2], $0x80, v4, vm0, $0xb8;
	[tilespmem:$0x18080] =	vst v63  }
0x61: {  	s13 =	rddreg [dreg:$0x15]  }
0x62: {  	[tilespmem:s13], [sflag:$0x1] =	stream.indirect_vreg.gather [hbm4b:s3+s2], $0x80, v3, vm0, $0xb8;
	[tilespmem:$0x18080] =	vst v63  }
0x63: {  	s0 =	rddreg [dreg:$0x16]  }
0x64: {  	[tilespmem:s0], [sflag:$0x1] =	stream.indirect_vreg.gather [hbm4b:s5+s2], $0x80, v3, vm0, $0xb8;
	[tilespmem:$0x18080] =	vst v63  }
0x65: {  	s13 =	rddreg [dreg:$0x17]  }
0x66: {  	[tilespmem:s13], [sflag:$0x1] =	stream.indirect_vreg.gather [hbm4b:s6+s2], $0x80, v3, vm0, $0xb8;
	[tilespmem:$0x18080] =	vst v63  }
0x67: {  	v3 =	vld [tilespmem:$0x30];
	_ =	sdelay $0x4  }
0x68: {  	v59 =	vshrl.u32 v3, $0x3  }
0x69: {  	v4 =	vmul.u32 $0x30, v59  }
0x6a: {  	v3 =	vand.u32 $0x7, v3  }
0x6b: {  	v3 =	vor.u32 v3, v4  }
0x6c: {  	v4 =	vperm.xlane v3, v0;
	_ =	sdelay $0x1  }
0x6d: {  	v4 =	vadd.s32 v1, v4;
	_ =	sdelay $0x3  }
0x6e: {  	s0 =	rddreg [dreg:$0x18];
	v3 =	vperm.xlane v3, v2  }
0x6f: {  	[tilespmem:s0], [sflag:$0x1] =	stream.indirect_vreg.gather [hbm4b:s3+s2], $0x80, v4, vm0, $0xb8;
	[tilespmem:$0x18080] =	vst v63  }
0x70: {  	s13 =	rddreg [dreg:$0x19];
	v3 =	vadd.s32 v1, v3  }
0x71: {  	[tilespmem:s13], [sflag:$0x1] =	stream.indirect_vreg.gather [hbm4b:s5+s2], $0x80, v4, vm0, $0xb8;
	[tilespmem:$0x18080] =	vst v63  }
0x72: {  	s0 =	rddreg [dreg:$0x1a]  }
0x73: {  	[tilespmem:s0], [sflag:$0x1] =	stream.indirect_vreg.gather [hbm4b:s6+s2], $0x80, v4, vm0, $0xb8;
	[tilespmem:$0x18080] =	vst v63  }
0x74: {  	s13 =	rddreg [dreg:$0x1b]  }
0x75: {  	[tilespmem:s13], [sflag:$0x1] =	stream.indirect_vreg.gather [hbm4b:s3+s2], $0x80, v3, vm0, $0xb8;
	[tilespmem:$0x18080] =	vst v63  }
0x76: {  	s0 =	rddreg [dreg:$0x1c]  }
0x77: {  	[tilespmem:s0], [sflag:$0x1] =	stream.indirect_vreg.gather [hbm4b:s5+s2], $0x80, v3, vm0, $0xb8;
	[tilespmem:$0x18080] =	vst v63  }
0x78: {  	s13 =	rddreg [dreg:$0x1d]  }
0x79: {  	[tilespmem:s13], [sflag:$0x1] =	stream.indirect_vreg.gather [hbm4b:s6+s2], $0x80, v3, vm0, $0xb8;
	[tilespmem:$0x18080] =	vst v63  }
0x7a: {  	v3 =	vld [tilespmem:$0x0];
	_ =	sdelay $0x4  }
0x7b: {  	v60 =	vshrl.u32 v3, $0x3  }
0x7c: {  	v4 =	vmul.u32 $0x30, v60  }
0x7d: {  	v3 =	vand.u32 $0x7, v3  }
0x7e: {  	v3 =	vor.u32 v3, v4  }
0x7f: {  	v4 =	vperm.xlane v3, v0;
	_ =	sdelay $0x1  }
0x80: {  	v4 =	vadd.s32 v1, v4;
	_ =	sdelay $0x3  }
0x81: {  	s0 =	rddreg [dreg:$0x1e];
	v3 =	vperm.xlane v3, v2  }
0x82: {  	[tilespmem:s12], [sflag:$0x2] =	stream.indirect_vreg.gather [hbm4b:s4+s2], $0x80, v4, vm0, $0xb8;
	[tilespmem:$0x18080] =	vst v63  }
0x83: {  	s13 =	rddreg [dreg:$0x1f];
	v3 =	vadd.s32 v1, v3  }
0x84: {  	[tilespmem:s0], [sflag:$0x2] =	stream.indirect_vreg.gather [hbm4b:s7+s2], $0x80, v4, vm0, $0xb8;
	[tilespmem:$0x18080] =	vst v63  }
0x85: {  	s0 =	sld [smem:$0x7FA]  }
0x86: {  	[tilespmem:s13], [sflag:$0x2] =	stream.indirect_vreg.gather [hbm4b:s8+s2], $0x80, v4, vm0, $0xb8;
	[tilespmem:$0x18080] =	vst v63  }
0x87: {  	s13 =	sld [smem:$0x7FB]  }
0x88: {  	[tilespmem:s0], [sflag:$0x2] =	stream.indirect_vreg.gather [hbm4b:s4+s2], $0x80, v3, vm0, $0xb8;
	[tilespmem:$0x18080] =	vst v63  }
0x89: {  	s0 =	sld [smem:$0x7FC]  }
0x8a: {  	[tilespmem:s13], [sflag:$0x2] =	stream.indirect_vreg.gather [hbm4b:s7+s2], $0x80, v3, vm0, $0xb8;
	[tilespmem:$0x18080] =	vst v63  }
0x8b: {  	_ = 	snop  }
0x8c: {  	[tilespmem:s0], [sflag:$0x2] =	stream.indirect_vreg.gather [hbm4b:s8+s2], $0x80, v3, vm0, $0xb8;
	[tilespmem:$0x18080] =	vst v63  }
0x8d: {  	v3 =	vld [tilespmem:$0x10];
	_ =	sdelay $0x4  }
0x8e: {  	v61 =	vshrl.u32 v3, $0x3  }
0x8f: {  	v4 =	vmul.u32 $0x30, v61  }
0x90: {  	v3 =	vand.u32 $0x7, v3  }
0x91: {  	v3 =	vor.u32 v3, v4  }
0x92: {  	v4 =	vperm.xlane v3, v0;
	_ =	sdelay $0x1  }
0x93: {  	v4 =	vadd.s32 v1, v4;
	_ =	sdelay $0x1  }
0x94: {  	s13 =	sld [smem:$0x7FD];
	_ =	sdelay $0x1  }
0x95: {  	v3 =	vperm.xlane v3, v2  }
0x96: {  	[tilespmem:s13], [sflag:$0x2] =	stream.indirect_vreg.gather [hbm4b:s4+s2], $0x80, v4, vm0, $0xb8;
	[tilespmem:$0x18080] =	vst v63  }
0x97: {  	v3 =	vadd.s32 v1, v3;
	s13 =	simm.s32 $0xF880  }
0x98: {  	[tilespmem:s13], [sflag:$0x2] =	stream.indirect_vreg.gather [hbm4b:s7+s2], $0x80, v4, vm0, $0xb8;
	[tilespmem:$0x18080] =	vst v63  }
0x99: {  	_ = 	snop  }
0x9a: {  	[tilespmem:s14], [sflag:$0x2] =	stream.indirect_vreg.gather [hbm4b:s8+s2], $0x80, v4, vm0, $0xb8;
	[tilespmem:$0x18080] =	vst v63  }
0x9b: {  	_ = 	snop  }
0x9c: {  	[tilespmem:s15], [sflag:$0x2] =	stream.indirect_vreg.gather [hbm4b:s4+s2], $0x80, v3, vm0, $0xb8;
	[tilespmem:$0x18080] =	vst v63  }
0x9d: {  	_ = 	snop  }
0x9e: {  	[tilespmem:s16], [sflag:$0x2] =	stream.indirect_vreg.gather [hbm4b:s7+s2], $0x80, v3, vm0, $0xb8;
	[tilespmem:$0x18080] =	vst v63  }
0x9f: {  	_ = 	snop  }
0xa0: {  	[tilespmem:s17], [sflag:$0x2] =	stream.indirect_vreg.gather [hbm4b:s8+s2], $0x80, v3, vm0, $0xb8;
	[tilespmem:$0x18080] =	vst v63  }
0xa1: {  	v3 =	vld [tilespmem:$0x20];
	_ =	sdelay $0x4  }
0xa2: {  	v62 =	vshrl.u32 v3, $0x3  }
0xa3: {  	v4 =	vmul.u32 $0x30, v62  }
0xa4: {  	v3 =	vand.u32 $0x7, v3  }
0xa5: {  	v3 =	vor.u32 v3, v4  }
0xa6: {  	v4 =	vperm.xlane v3, v0;
	_ =	sdelay $0x1  }
0xa7: {  	v4 =	vadd.s32 v1, v4;
	_ =	sdelay $0x3  }
0xa8: {  	v3 =	vperm.xlane v3, v2  }
0xa9: {  	[tilespmem:s18], [sflag:$0x2] =	stream.indirect_vreg.gather [hbm4b:s4+s2], $0x80, v4, vm0, $0xb8;
	[tilespmem:$0x18080] =	vst v63  }
0xaa: {  	v3 =	vadd.s32 v1, v3  }
0xab: {  	[tilespmem:s19], [sflag:$0x2] =	stream.indirect_vreg.gather [hbm4b:s7+s2], $0x80, v4, vm0, $0xb8;
	[tilespmem:$0x18080] =	vst v63  }
0xac: {  	_ = 	snop  }
0xad: {  	[tilespmem:s20], [sflag:$0x2] =	stream.indirect_vreg.gather [hbm4b:s8+s2], $0x80, v4, vm0, $0xb8;
	[tilespmem:$0x18080] =	vst v63  }
0xae: {  	_ = 	snop  }
0xaf: {  	[tilespmem:s21], [sflag:$0x2] =	stream.indirect_vreg.gather [hbm4b:s4+s2], $0x80, v3, vm0, $0xb8;
	[tilespmem:$0x18080] =	vst v63  }
0xb0: {  	_ = 	snop  }
0xb1: {  	[tilespmem:s22], [sflag:$0x2] =	stream.indirect_vreg.gather [hbm4b:s7+s2], $0x80, v3, vm0, $0xb8;
	[tilespmem:$0x18080] =	vst v63  }
0xb2: {  	_ = 	snop  }
0xb3: {  	[tilespmem:s23], [sflag:$0x2] =	stream.indirect_vreg.gather [hbm4b:s8+s2], $0x80, v3, vm0, $0xb8;
	[tilespmem:$0x18080] =	vst v63  }
0xb4: {  	v3 =	vld [tilespmem:$0x30];
	_ =	sdelay $0x4  }
0xb5: {  	v63 =	vshrl.u32 v3, $0x3  }
0xb6: {  	v4 =	vmul.u32 $0x30, v63  }
0xb7: {  	v3 =	vand.u32 $0x7, v3  }
0xb8: {  	v3 =	vor.u32 v3, v4  }
0xb9: {  	v4 =	vperm.xlane v3, v0;
	_ =	sdelay $0x1  }
0xba: {  	v4 =	vadd.s32 v1, v4;
	_ =	sdelay $0x3  }
0xbb: {  	v3 =	vperm.xlane v3, v2  }
0xbc: {  	[tilespmem:s24], [sflag:$0x2] =	stream.indirect_vreg.gather [hbm4b:s4+s2], $0x80, v4, vm0, $0xb8;
	[tilespmem:$0x18080] =	vst v63  }
0xbd: {  	v3 =	vadd.s32 v1, v3  }
0xbe: {  	[tilespmem:s25], [sflag:$0x2] =	stream.indirect_vreg.gather [hbm4b:s7+s2], $0x80, v4, vm0, $0xb8;
	[tilespmem:$0x18080] =	vst v63  }
0xbf: {  	_ = 	snop  }
0xc0: {  	[tilespmem:s26], [sflag:$0x2] =	stream.indirect_vreg.gather [hbm4b:s8+s2], $0x80, v4, vm0, $0xb8;
	[tilespmem:$0x18080] =	vst v63  }
0xc1: {  	_ = 	snop  }
0xc2: {  	[tilespmem:s28], [sflag:$0x2] =	stream.indirect_vreg.gather [hbm4b:s4+s2], $0x80, v3, vm0, $0xb8;
	[tilespmem:$0x18080] =	vst v63  }
0xc3: {  	_ = 	snop  }
0xc4: {  	[tilespmem:s29], [sflag:$0x2] =	stream.indirect_vreg.gather [hbm4b:s7+s2], $0x80, v3, vm0, $0xb8;
	[tilespmem:$0x18080] =	vst v63  }
0xc5: {  	_ = 	snop  }
0xc6: {  	[tilespmem:s30], [sflag:$0x2] =	stream.indirect_vreg.gather [hbm4b:s8+s2], $0x80, v3, vm0, $0xb8;
	[tilespmem:$0x18080] =	vst v63  }
0xc7: {  	_ =	swait.ge [sflag:s31], $0xC000  }
0xc8: {  	[sflag:s31] =	ssyncset.done $0x0  }
0xc9: {  	[sflag:s31] =	ssyncadd.s32 $0xFFFF4000  }
0xca: {  	_ =	swait.ge [sflag:s1], $0xC000  }
0xcb: {  	[sflag:s1] =	ssyncset.done $0x0  }
0xcc: {  	s0 =	rddreg [dreg:$0x5];
	[sflag:s1] =	ssyncadd.s32 $0xFFFF4000  }
0xcd: {  	[hbm4b:s0+s2] =	stream.linear.scatter [tilespmem:s11], [sflag:$0x1], $0xC000, $0x38;
	[tilespmem:$0x18080] =	vst v63  }
0xce: {  	s13 =	rddreg [dreg:$0x6]  }
0xcf: {  	[hbm4b:s13+s2] =	stream.linear.scatter [tilespmem:s12], [sflag:$0x2], $0xC000, $0x38;
	[tilespmem:$0x18080] =	vst v63  }
0xd0: {  	p0 =	sne.s32 s9, $0x1;
	_ =	swait.ge [sflag:s31], $0xC000  }
.Ltmp0:
0xd1: {  	[sflag:s31] =	ssyncset.done $0x0;
	(pc) =	sbr.rel @p0 .LBB2_1-.Ltmp0, $4  }
0xd2: {  	[sflag:s31] =	ssyncadd.s32 $0xFFFF4000  }
0xd3: {  	_ =	swait.ge [sflag:s1], $0xC000  }
0xd4: {  	[sflag:s1] =	ssyncset.done $0x0  }
0xd5: {  	s9 =	sadd.s32 $0xFFFFFFFF, s9;
	[sflag:s1] =	ssyncadd.s32 $0xFFFF4000  }
0xd6: {  	_ =	sfence.sel $0x180000  }
0xd7: {  	[bflag:$0x0] =	sbarrier.arrive $0xFFFF  }
0xd8: {  	_ =	strace $0x9000004A  }
0xd9: {  	s0 =	stileid.u32;
	[bflag:$0x2] =	sbarrier.arrive $0xFFFF  }
0xda: {  	p0 =	sne.s32 s0, $0x0;
	s0 =	rddreg [dreg:$0x3]  }
0xdb: {  	s0 =	sadd.s32 @!p0 $0x100000, s0  }
0xdc: {  	[sflag:s0] =	ssyncadd.tile.s32 @!p0 $0x1;
	_ =	shalt  }
.Lfunc_end2:
_tile_overlayer_lowered:
.L_overlay_start_2:
0xdd: {  	(tag) =	ssettag $0x2  }
0xde: {  	s0 =	rddreg [dreg:$0x0];
	s2 =	stileid.u32  }
0xdf: {  	s1 =	rddreg [dreg:$0x1];
	p0 =	sne.s32 s2, $0x0  }
0xe0: {  	s3 =	rddreg [dreg:$0x2];
	[bflag:$0x3] =	sbarrier.arrive $0xFFFF;
	s2 =	simm.s32 @!p0 $0x1C03  }
0xe1: {  	[timem:s3], [sflag:s2] =	dma.local @!p0 [hbm:s0], s1  }
0xe2: {  	s0 =	simm.s32 @!p0 $0x3  }
0xe3: {  	_ =	swait.ge @!p0 [sflag:s0], s1  }
0xe4: {  	s1 =	ssub.s32 @!p0 $0x0, s1;
	[sflag:s0] =	ssyncset.done @!p0 $0x0  }
0xe5: {  	[sflag:s0] =	ssyncadd.s32 @!p0 s1  }
0xe6: {  	[bflag:$0x3] =	sbarrier.arrive $0xFFFF  }
0xe7: {  	_ =	shalt  }

</sc_bundles>
